<compile_context>
chip_gen: v7x
topology: tpu7x:2x2x1
jax: 0.10.2.dev20260603
libtpu: 0.0.44.dev20260713+nightly
codegen_flags: <defaults>
</compile_context>

<pallas_src>
import functools

import jax
import jax.numpy as jnp
from jax import lax
from jax.experimental import pallas as pl
from jax.experimental.pallas import tpu as pltpu
from jax.experimental.pallas import tpu_sc as plsc

D = 128
NC = 2
NS = 16
NW = NC * NS
GCHUNK = 128


NBUF = 4


def _sc_gather_body(nchunks,
                    u_idx, i_idx, s_idx, g_idx,
                    u_emb, i_emb, s_emb, g_emb,
                    cat_out,
                    idx_all, bufs, sems_g, sems_w):
    wid = lax.axis_index("s") * NC + lax.axis_index("c")
    nrows = nchunks * GCHUNK
    base = wid * nrows
    tables = ((u_idx, u_emb), (i_idx, i_emb), (s_idx, s_emb), (g_idx, g_emb))
    for t, (idx_hbm, _) in enumerate(tables):
        pltpu.sync_copy(idx_hbm.at[pl.ds(base, nrows)], idx_all.at[t])
    units = [(t, c) for t in range(4) for c in range(nchunks)]
    nu = len(units)
    infl = min(2, nu)
    g_desc = [None] * NBUF
    w_desc = [None] * NBUF

    def start_gather(u):
        t, c = units[u]
        b = u % NBUF
        g_desc[b] = pltpu.async_copy(
            tables[t][1].at[idx_all.at[t, pl.ds(c * GCHUNK, GCHUNK)]],
            bufs[b], sems_g[b])

    for u in range(infl):
        start_gather(u)
    for u, (t, c) in enumerate(units):
        b = u % NBUF
        g_desc[b].wait()
        w_desc[b] = pltpu.async_copy(
            bufs[b],
            cat_out.at[pl.ds(base + c * GCHUNK, GCHUNK), pl.ds(t * D, D)],
            sems_w[b])
        un = u + infl
        if un < nu:
            nb = un % NBUF
            if w_desc[nb] is not None:
                w_desc[nb].wait()
            start_gather(un)
    for b in range(NBUF):
        if w_desc[b] is not None:
            w_desc[b].wait()


def _sc_gather(u_idx, i_idx, s_idx, g_idx, u_emb, i_emb, s_emb, g_emb):
    B = u_idx.shape[0]
    nchunks = B // (NW * GCHUNK)
    mesh = plsc.VectorSubcoreMesh(core_axis_name="c", subcore_axis_name="s",
                                  num_cores=NC, num_subcores=NS)
    run = pl.kernel(
        functools.partial(_sc_gather_body, nchunks),
        out_type=jax.ShapeDtypeStruct((B, 4 * D), jnp.float32),
        mesh=mesh,
        scratch_types=[
            pltpu.VMEM((4, nchunks * GCHUNK), jnp.int32),
            [pltpu.VMEM((GCHUNK, D), jnp.float32) for _ in range(NBUF)],
            [pltpu.SemaphoreType.DMA for _ in range(NBUF)],
            [pltpu.SemaphoreType.DMA for _ in range(NBUF)],
        ],
    )
    return run(u_idx, i_idx, s_idx, g_idx, u_emb, i_emb, s_emb, g_emb)


def _dot_nt(a, w):
    return lax.dot_general(a, w, (((1,), (1,)), ((), ())),
                           preferred_element_type=jnp.float32)


def _mlp_body(x, w0, b0, w1, b1, w2, b2, w3, b3, wo, bo, out):
    bf = jnp.bfloat16
    h = _dot_nt(x[...].astype(bf), w0[...])
    h = jnp.maximum(h + b0[...], 0.0).astype(bf)
    h = jnp.maximum(_dot_nt(h, w1[...]) + b1[...], 0.0).astype(bf)
    h = jnp.maximum(_dot_nt(h, w2[...]) + b2[...], 0.0).astype(bf)
    h = jnp.maximum(_dot_nt(h, w3[...]) + b3[...], 0.0)
    out[...] = jnp.sum(h * wo[...], axis=1, keepdims=True) + bo[...]


def _mlp(x, W0, b0, W1, b1, W2, b2, W3, b3, Wo, bo, bm=2048):
    B = x.shape[0]
    grid = (B // bm,)
    x_spec = pl.BlockSpec((bm, 4 * D), lambda i: (i, 0))
    full = lambda a: pl.BlockSpec(a.shape, lambda i: (0,) * a.ndim)
    bf = jnp.bfloat16
    ws = [W0.astype(bf), b0.reshape(1, -1), W1.astype(bf),
          b1.reshape(1, -1), W2.astype(bf), b2.reshape(1, -1),
          W3.astype(bf), b3.reshape(1, -1), Wo, bo.reshape(1, 1)]
    return pl.pallas_call(
        _mlp_body,
        grid=grid,
        in_specs=[x_spec] + [full(w) for w in ws],
        out_specs=pl.BlockSpec((bm, 1), lambda i: (i, 0)),
        out_shape=jax.ShapeDtypeStruct((B, 1), jnp.float32),
    )(x, *ws)


def kernel(user_indices, item_indices, social_indices, giver_indices,
           user_emb, item_emb, social_emb, giver_emb,
           W0, b0, W1, b1, W2, b2, W3, b3, Wo, bo, nslices=1):
    B = user_indices.shape[0]
    Bs = B // nslices
    idxs = (user_indices.astype(jnp.int32), item_indices.astype(jnp.int32),
            social_indices.astype(jnp.int32), giver_indices.astype(jnp.int32))
    outs = []
    for s in range(nslices):
        sl = [i[s * Bs:(s + 1) * Bs] for i in idxs]
        x = _sc_gather(*sl, user_emb, item_emb, social_emb, giver_emb)
        outs.append(x[:, :1])
    return jnp.concatenate(outs, axis=0).reshape(-1)

# --- scband reference (transcript-rebuilt; emitter-appended) ---
"""Pipeline reference for scband-ncf-4707284156877 (READ-ONLY COPY).

The authoritative reference and input builder live on the scoring server;
editing this copy changes nothing except your own understanding.
"""

import jax, jax.numpy as jnp
import numpy as np

B = 16384
NU = 100000
NI = 100000
D = 128
HID = [512, 256, 128, 64]


def setup_inputs(seed: int = 0) -> dict:
    key = jax.random.key(seed)
    ks = jax.random.split(key, 20)
    user_indices = jax.random.randint(ks[0], (B,), 0, NU)
    item_indices = jax.random.randint(ks[1], (B,), 0, NI)
    social_indices = jax.random.randint(ks[2], (B,), 0, NU)
    giver_indices = jax.random.randint(ks[3], (B,), 0, NU)
    user_emb = (jax.random.normal(ks[4], (NU + 1, D), dtype=jnp.float32) * 0.05).at[NU].set(0.0)
    item_emb = (jax.random.normal(ks[5], (NI + 1, D), dtype=jnp.float32) * 0.05).at[NI].set(0.0)
    social_emb = (jax.random.normal(ks[6], (NU + 1, D), dtype=jnp.float32) * 0.05).at[NU].set(0.0)
    giver_emb = (jax.random.normal(ks[7], (NU + 1, D), dtype=jnp.float32) * 0.05).at[NU].set(0.0)
    in_sizes = [4 * D] + HID[:-1]
    params = {}
    for i, (fin, fout) in enumerate(zip(in_sizes, HID)):
        params[f"W{i}"] = jax.random.normal(ks[8 + 2 * i], (fout, fin), dtype=jnp.float32) * 0.05
        params[f"b{i}"] = jax.random.normal(ks[9 + 2 * i], (fout,), dtype=jnp.float32) * 0.05
    Wo = jax.random.normal(ks[16], (1, HID[-1]), dtype=jnp.float32) * 0.05
    bo = jax.random.normal(ks[17], (1,), dtype=jnp.float32) * 0.05
    return dict(user_indices=user_indices, item_indices=item_indices,
                social_indices=social_indices, giver_indices=giver_indices,
                user_emb=user_emb, item_emb=item_emb, social_emb=social_emb,
                giver_emb=giver_emb, Wo=Wo, bo=bo, **params)


def reference(user_indices, item_indices, social_indices, giver_indices,
              user_emb, item_emb, social_emb, giver_emb,
              W0, b0, W1, b1, W2, b2, W3, b3, Wo, bo):
    ui = jnp.clip(user_indices, 0, user_emb.shape[0] - 1)
    ii = jnp.clip(item_indices, 0, item_emb.shape[0] - 1)
    si = jnp.clip(social_indices, 0, social_emb.shape[0] - 1)
    gi = jnp.clip(giver_indices, 0, giver_emb.shape[0] - 1)
    ue = jnp.take(user_emb, ui, axis=0)
    ie = jnp.take(item_emb, ii, axis=0)
    se = jnp.take(social_emb, si, axis=0)
    ge = jnp.take(giver_emb, gi, axis=0)
    v = jnp.concatenate([ue, ie, se, ge], axis=-1)
    h = jax.nn.relu(v @ W0.T + b0)
    h = jax.nn.relu(h @ W1.T + b1)
    h = jax.nn.relu(h @ W2.T + b2)
    h = jax.nn.relu(h @ W3.T + b3)
    pred = h @ Wo.T + bo
    return pred.reshape(-1)

if __name__ == "__main__":
    import jax
    _d = setup_inputs()
    print(jax.jit(kernel)(*tuple(_d.values())))

</pallas_src>

<mosaic_0001>
#map = affine_map<(d0, d1) -> (0)>
#map1 = affine_map<(d0, d1) -> (0, 0)>
module attributes {stable_mosaic.version = 14 : i64} {
  func.func @_sc_gather_body(%arg0: i32, %arg1: i32, %arg2: memref<16384xi32, #tpu.memory_space<hbm>>, %arg3: memref<16384xi32, #tpu.memory_space<hbm>>, %arg4: memref<16384xi32, #tpu.memory_space<hbm>>, %arg5: memref<16384xi32, #tpu.memory_space<hbm>>, %arg6: memref<100001x128xf32, #tpu.memory_space<hbm>>, %arg7: memref<100001x128xf32, #tpu.memory_space<hbm>>, %arg8: memref<100001x128xf32, #tpu.memory_space<hbm>>, %arg9: memref<100001x128xf32, #tpu.memory_space<hbm>>, %arg10: memref<16384x512xf32, #tpu.memory_space<hbm>>, %arg11: memref<4x512xi32, #tpu.memory_space<vmem>>, %arg12: memref<128x128xf32, #tpu.memory_space<vmem>>, %arg13: memref<128x128xf32, #tpu.memory_space<vmem>>, %arg14: memref<128x128xf32, #tpu.memory_space<vmem>>, %arg15: memref<128x128xf32, #tpu.memory_space<vmem>>, %arg16: memref<!tpu.dma_semaphore, #tpu.memory_space<semaphore_mem>>, %arg17: memref<!tpu.dma_semaphore, #tpu.memory_space<semaphore_mem>>, %arg18: memref<!tpu.dma_semaphore, #tpu.memory_space<semaphore_mem>>, %arg19: memref<!tpu.dma_semaphore, #tpu.memory_space<semaphore_mem>>, %arg20: memref<!tpu.dma_semaphore, #tpu.memory_space<semaphore_mem>>, %arg21: memref<!tpu.dma_semaphore, #tpu.memory_space<semaphore_mem>>, %arg22: memref<!tpu.dma_semaphore, #tpu.memory_space<semaphore_mem>>, %arg23: memref<!tpu.dma_semaphore, #tpu.memory_space<semaphore_mem>>) attributes {dimension_semantics = [#tpu.dimension_semantics<core_parallel>, #tpu.dimension_semantics<subcore_parallel>], iteration_bounds = array<i64: 2, 16>, scalar_prefetch = 0 : i64, scratch_operands = 13 : i64, tpu.core_type = #tpu.core_type<sc_vector_subcore>, window_params = [{transform_indices = #map}, {transform_indices = #map}, {transform_indices = #map}, {transform_indices = #map}, {transform_indices = #map1}, {transform_indices = #map1}, {transform_indices = #map1}, {transform_indices = #map1}, {transform_indices = #map1}]} {
    %mul3A = arith.constant 2 : i32
    %mul3A_0 = arith.muli %arg1, %mul3A : i32
    %add3A = arith.addi %mul3A_0, %arg0 : i32
    %mul3A_1 = arith.constant 512 : i32
    %mul3A_2 = arith.muli %add3A, %mul3A_1 : i32
    %run_scoped3A = arith.constant 0 : i32
    "tpu.region"() ({
      %run_scoped3A_388 = tpu.sem_alloc : memref<!tpu.dma_semaphore, #tpu.memory_space<semaphore_mem>>
      %dma_start3A_389 = arith.constant 0 : i32
      %dma_start3A_390 = tpu.memref_slice %arg11[%run_scoped3A, %dma_start3A_389] : memref<4x512xi32, #tpu.memory_space<vmem>> -> memref<1x512xi32, #tpu.memory_space<vmem>>
      %dma_start3A_391 = tpu.memref_squeeze %dma_start3A_390 : memref<1x512xi32, #tpu.memory_space<vmem>> -> memref<512xi32, #tpu.memory_space<vmem>>
      %dma_start3A_392 = tpu.memref_slice %arg2[%mul3A_2] : memref<16384xi32, #tpu.memory_space<hbm>> -> memref<512xi32, #tpu.memory_space<hbm>>
      %dma_start3A_393 = arith.constant 0 : i32
      %dma_start3A_394 = tpu.memref_slice %arg11[%run_scoped3A, %dma_start3A_393] : memref<4x512xi32, #tpu.memory_space<vmem>> -> memref<1x512xi32, #tpu.memory_space<vmem>>
      %dma_start3A_395 = tpu.memref_squeeze %dma_start3A_394 : memref<1x512xi32, #tpu.memory_space<vmem>> -> memref<512xi32, #tpu.memory_space<vmem>>
      %dma_start3A_396 = tpu.memref_slice %arg2[%mul3A_2] : memref<16384xi32, #tpu.memory_space<hbm>> -> memref<512xi32, #tpu.memory_space<hbm>>
      tpu.enqueue_dma source(%dma_start3A_396 : memref<512xi32, #tpu.memory_space<hbm>>) target(%dma_start3A_395 : memref<512xi32, #tpu.memory_space<vmem>>) target_semaphore(%run_scoped3A_388 : memref<!tpu.dma_semaphore, #tpu.memory_space<semaphore_mem>>)
      %dma_wait3A_397 = arith.constant 0 : i32
      %dma_wait3A_398 = tpu.memref_slice %arg11[%run_scoped3A, %dma_wait3A_397] : memref<4x512xi32, #tpu.memory_space<vmem>> -> memref<1x512xi32, #tpu.memory_space<vmem>>
      %dma_wait3A_399 = tpu.memref_squeeze %dma_wait3A_398 : memref<1x512xi32, #tpu.memory_space<vmem>> -> memref<512xi32, #tpu.memory_space<vmem>>
      %dma_wait3A_400 = tpu.memref_slice %arg2[%mul3A_2] : memref<16384xi32, #tpu.memory_space<hbm>> -> memref<512xi32, #tpu.memory_space<hbm>>
      %dma_wait3A_401 = arith.constant 0 : i32
      %dma_wait3A_402 = tpu.memref_slice %arg11[%run_scoped3A, %dma_wait3A_401] : memref<4x512xi32, #tpu.memory_space<vmem>> -> memref<1x512xi32, #tpu.memory_space<vmem>>
      %dma_wait3A_403 = tpu.memref_squeeze %dma_wait3A_402 : memref<1x512xi32, #tpu.memory_space<vmem>> -> memref<512xi32, #tpu.memory_space<vmem>>
      %dma_wait3A_404 = tpu.memref_slice %arg2[%mul3A_2] : memref<16384xi32, #tpu.memory_space<hbm>> -> memref<512xi32, #tpu.memory_space<hbm>>
      tpu.wait_dma2 semaphore(%run_scoped3A_388 : memref<!tpu.dma_semaphore, #tpu.memory_space<semaphore_mem>>) src(%dma_wait3A_404 : memref<512xi32, #tpu.memory_space<hbm>>) dst(%dma_wait3A_403 : memref<512xi32, #tpu.memory_space<vmem>>)
      tpu.yield
    }) : () -> ()
    %run_scoped3A_3 = arith.constant 1 : i32
    "tpu.region"() ({
      %run_scoped3A_388 = tpu.sem_alloc : memref<!tpu.dma_semaphore, #tpu.memory_space<semaphore_mem>>
      %dma_start3A_389 = arith.constant 0 : i32
      %dma_start3A_390 = tpu.memref_slice %arg11[%run_scoped3A_3, %dma_start3A_389] : memref<4x512xi32, #tpu.memory_space<vmem>> -> memref<1x512xi32, #tpu.memory_space<vmem>>
      %dma_start3A_391 = tpu.memref_squeeze %dma_start3A_390 : memref<1x512xi32, #tpu.memory_space<vmem>> -> memref<512xi32, #tpu.memory_space<vmem>>
      %dma_start3A_392 = tpu.memref_slice %arg3[%mul3A_2] : memref<16384xi32, #tpu.memory_space<hbm>> -> memref<512xi32, #tpu.memory_space<hbm>>
      %dma_start3A_393 = arith.constant 0 : i32
      %dma_start3A_394 = tpu.memref_slice %arg11[%run_scoped3A_3, %dma_start3A_393] : memref<4x512xi32, #tpu.memory_space<vmem>> -> memref<1x512xi32, #tpu.memory_space<vmem>>
      %dma_start3A_395 = tpu.memref_squeeze %dma_start3A_394 : memref<1x512xi32, #tpu.memory_space<vmem>> -> memref<512xi32, #tpu.memory_space<vmem>>
      %dma_start3A_396 = tpu.memref_slice %arg3[%mul3A_2] : memref<16384xi32, #tpu.memory_space<hbm>> -> memref<512xi32, #tpu.memory_space<hbm>>
      tpu.enqueue_dma source(%dma_start3A_396 : memref<512xi32, #tpu.memory_space<hbm>>) target(%dma_start3A_395 : memref<512xi32, #tpu.memory_space<vmem>>) target_semaphore(%run_scoped3A_388 : memref<!tpu.dma_semaphore, #tpu.memory_space<semaphore_mem>>)
      %dma_wait3A_397 = arith.constant 0 : i32
      %dma_wait3A_398 = tpu.memref_slice %arg11[%run_scoped3A_3, %dma_wait3A_397] : memref<4x512xi32, #tpu.memory_space<vmem>> -> memref<1x512xi32, #tpu.memory_space<vmem>>
      %dma_wait3A_399 = tpu.memref_squeeze %dma_wait3A_398 : memref<1x512xi32, #tpu.memory_space<vmem>> -> memref<512xi32, #tpu.memory_space<vmem>>
      %dma_wait3A_400 = tpu.memref_slice %arg3[%mul3A_2] : memref<16384xi32, #tpu.memory_space<hbm>> -> memref<512xi32, #tpu.memory_space<hbm>>
      %dma_wait3A_401 = arith.constant 0 : i32
      %dma_wait3A_402 = tpu.memref_slice %arg11[%run_scoped3A_3, %dma_wait3A_401] : memref<4x512xi32, #tpu.memory_space<vmem>> -> memref<1x512xi32, #tpu.memory_space<vmem>>
      %dma_wait3A_403 = tpu.memref_squeeze %dma_wait3A_402 : memref<1x512xi32, #tpu.memory_space<vmem>> -> memref<512xi32, #tpu.memory_space<vmem>>
      %dma_wait3A_404 = tpu.memref_slice %arg3[%mul3A_2] : memref<16384xi32, #tpu.memory_space<hbm>> -> memref<512xi32, #tpu.memory_space<hbm>>
      tpu.wait_dma2 semaphore(%run_scoped3A_388 : memref<!tpu.dma_semaphore, #tpu.memory_space<semaphore_mem>>) src(%dma_wait3A_404 : memref<512xi32, #tpu.memory_space<hbm>>) dst(%dma_wait3A_403 : memref<512xi32, #tpu.memory_space<vmem>>)
      tpu.yield
    }) : () -> ()
    %run_scoped3A_4 = arith.constant 2 : i32
    "tpu.region"() ({
      %run_scoped3A_388 = tpu.sem_alloc : memref<!tpu.dma_semaphore, #tpu.memory_space<semaphore_mem>>
      %dma_start3A_389 = arith.constant 0 : i32
      %dma_start3A_390 = tpu.memref_slice %arg11[%run_scoped3A_4, %dma_start3A_389] : memref<4x512xi32, #tpu.memory_space<vmem>> -> memref<1x512xi32, #tpu.memory_space<vmem>>
      %dma_start3A_391 = tpu.memref_squeeze %dma_start3A_390 : memref<1x512xi32, #tpu.memory_space<vmem>> -> memref<512xi32, #tpu.memory_space<vmem>>
      %dma_start3A_392 = tpu.memref_slice %arg4[%mul3A_2] : memref<16384xi32, #tpu.memory_space<hbm>> -> memref<512xi32, #tpu.memory_space<hbm>>
      %dma_start3A_393 = arith.constant 0 : i32
      %dma_start3A_394 = tpu.memref_slice %arg11[%run_scoped3A_4, %dma_start3A_393] : memref<4x512xi32, #tpu.memory_space<vmem>> -> memref<1x512xi32, #tpu.memory_space<vmem>>
      %dma_start3A_395 = tpu.memref_squeeze %dma_start3A_394 : memref<1x512xi32, #tpu.memory_space<vmem>> -> memref<512xi32, #tpu.memory_space<vmem>>
      %dma_start3A_396 = tpu.memref_slice %arg4[%mul3A_2] : memref<16384xi32, #tpu.memory_space<hbm>> -> memref<512xi32, #tpu.memory_space<hbm>>
      tpu.enqueue_dma source(%dma_start3A_396 : memref<512xi32, #tpu.memory_space<hbm>>) target(%dma_start3A_395 : memref<512xi32, #tpu.memory_space<vmem>>) target_semaphore(%run_scoped3A_388 : memref<!tpu.dma_semaphore, #tpu.memory_space<semaphore_mem>>)
      %dma_wait3A_397 = arith.constant 0 : i32
      %dma_wait3A_398 = tpu.memref_slice %arg11[%run_scoped3A_4, %dma_wait3A_397] : memref<4x512xi32, #tpu.memory_space<vmem>> -> memref<1x512xi32, #tpu.memory_space<vmem>>
      %dma_wait3A_399 = tpu.memref_squeeze %dma_wait3A_398 : memref<1x512xi32, #tpu.memory_space<vmem>> -> memref<512xi32, #tpu.memory_space<vmem>>
      %dma_wait3A_400 = tpu.memref_slice %arg4[%mul3A_2] : memref<16384xi32, #tpu.memory_space<hbm>> -> memref<512xi32, #tpu.memory_space<hbm>>
      %dma_wait3A_401 = arith.constant 0 : i32
      %dma_wait3A_402 = tpu.memref_slice %arg11[%run_scoped3A_4, %dma_wait3A_401] : memref<4x512xi32, #tpu.memory_space<vmem>> -> memref<1x512xi32, #tpu.memory_space<vmem>>
      %dma_wait3A_403 = tpu.memref_squeeze %dma_wait3A_402 : memref<1x512xi32, #tpu.memory_space<vmem>> -> memref<512xi32, #tpu.memory_space<vmem>>
      %dma_wait3A_404 = tpu.memref_slice %arg4[%mul3A_2] : memref<16384xi32, #tpu.memory_space<hbm>> -> memref<512xi32, #tpu.memory_space<hbm>>
      tpu.wait_dma2 semaphore(%run_scoped3A_388 : memref<!tpu.dma_semaphore, #tpu.memory_space<semaphore_mem>>) src(%dma_wait3A_404 : memref<512xi32, #tpu.memory_space<hbm>>) dst(%dma_wait3A_403 : memref<512xi32, #tpu.memory_space<vmem>>)
      tpu.yield
    }) : () -> ()
    %run_scoped3A_5 = arith.constant 3 : i32
    "tpu.region"() ({
      %run_scoped3A_388 = tpu.sem_alloc : memref<!tpu.dma_semaphore, #tpu.memory_space<semaphore_mem>>
      %dma_start3A_389 = arith.constant 0 : i32
      %dma_start3A_390 = tpu.memref_slice %arg11[%run_scoped3A_5, %dma_start3A_389] : memref<4x512xi32, #tpu.memory_space<vmem>> -> memref<1x512xi32, #tpu.memory_space<vmem>>
      %dma_start3A_391 = tpu.memref_squeeze %dma_start3A_390 : memref<1x512xi32, #tpu.memory_space<vmem>> -> memref<512xi32, #tpu.memory_space<vmem>>
      %dma_start3A_392 = tpu.memref_slice %arg5[%mul3A_2] : memref<16384xi32, #tpu.memory_space<hbm>> -> memref<512xi32, #tpu.memory_space<hbm>>
      %dma_start3A_393 = arith.constant 0 : i32
      %dma_start3A_394 = tpu.memref_slice %arg11[%run_scoped3A_5, %dma_start3A_393] : memref<4x512xi32, #tpu.memory_space<vmem>> -> memref<1x512xi32, #tpu.memory_space<vmem>>
      %dma_start3A_395 = tpu.memref_squeeze %dma_start3A_394 : memref<1x512xi32, #tpu.memory_space<vmem>> -> memref<512xi32, #tpu.memory_space<vmem>>
      %dma_start3A_396 = tpu.memref_slice %arg5[%mul3A_2] : memref<16384xi32, #tpu.memory_space<hbm>> -> memref<512xi32, #tpu.memory_space<hbm>>
      tpu.enqueue_dma source(%dma_start3A_396 : memref<512xi32, #tpu.memory_space<hbm>>) target(%dma_start3A_395 : memref<512xi32, #tpu.memory_space<vmem>>) target_semaphore(%run_scoped3A_388 : memref<!tpu.dma_semaphore, #tpu.memory_space<semaphore_mem>>)
      %dma_wait3A_397 = arith.constant 0 : i32
      %dma_wait3A_398 = tpu.memref_slice %arg11[%run_scoped3A_5, %dma_wait3A_397] : memref<4x512xi32, #tpu.memory_space<vmem>> -> memref<1x512xi32, #tpu.memory_space<vmem>>
      %dma_wait3A_399 = tpu.memref_squeeze %dma_wait3A_398 : memref<1x512xi32, #tpu.memory_space<vmem>> -> memref<512xi32, #tpu.memory_space<vmem>>
      %dma_wait3A_400 = tpu.memref_slice %arg5[%mul3A_2] : memref<16384xi32, #tpu.memory_space<hbm>> -> memref<512xi32, #tpu.memory_space<hbm>>
      %dma_wait3A_401 = arith.constant 0 : i32
      %dma_wait3A_402 = tpu.memref_slice %arg11[%run_scoped3A_5, %dma_wait3A_401] : memref<4x512xi32, #tpu.memory_space<vmem>> -> memref<1x512xi32, #tpu.memory_space<vmem>>
      %dma_wait3A_403 = tpu.memref_squeeze %dma_wait3A_402 : memref<1x512xi32, #tpu.memory_space<vmem>> -> memref<512xi32, #tpu.memory_space<vmem>>
      %dma_wait3A_404 = tpu.memref_slice %arg5[%mul3A_2] : memref<16384xi32, #tpu.memory_space<hbm>> -> memref<512xi32, #tpu.memory_space<hbm>>
      tpu.wait_dma2 semaphore(%run_scoped3A_388 : memref<!tpu.dma_semaphore, #tpu.memory_space<semaphore_mem>>) src(%dma_wait3A_404 : memref<512xi32, #tpu.memory_space<hbm>>) dst(%dma_wait3A_403 : memref<512xi32, #tpu.memory_space<vmem>>)
      tpu.yield
    }) : () -> ()
    %dma_start3A = arith.constant 0 : i32
    %dma_start3A_6 = arith.constant 0 : i32
    %dma_start3A_7 = tpu.memref_slice %arg11[%dma_start3A, %dma_start3A_6] : memref<4x512xi32, #tpu.memory_space<vmem>> -> memref<1x128xi32, #tpu.memory_space<vmem>>
    %dma_start3A_8 = tpu.memref_squeeze %dma_start3A_7 : memref<1x128xi32, #tpu.memory_space<vmem>> -> memref<128xi32, #tpu.memory_space<vmem>>
    %dma_start3A_9 = arith.constant 0 : i32
    %dma_start3A_10 = arith.constant 0 : i32
    %dma_start3A_11 = tpu.memref_slice %arg6[%dma_start3A_9, %dma_start3A_10] : memref<100001x128xf32, #tpu.memory_space<hbm>> -> memref<100001x128xf32, #tpu.memory_space<hbm>>
    tpu.enqueue_indirect_dma source(%dma_start3A_11 : memref<100001x128xf32, #tpu.memory_space<hbm>>) target(%arg12 : memref<128x128xf32, #tpu.memory_space<vmem>>) offsets(%dma_start3A_8 : memref<128xi32, #tpu.memory_space<vmem>>) semaphore(%arg16 : memref<!tpu.dma_semaphore, #tpu.memory_space<semaphore_mem>>)
    %dma_start3A_12 = arith.constant 0 : i32
    %dma_start3A_13 = arith.constant 128 : i32
    %dma_start3A_14 = tpu.memref_slice %arg11[%dma_start3A_12, %dma_start3A_13] : memref<4x512xi32, #tpu.memory_space<vmem>> -> memref<1x128xi32, #tpu.memory_space<vmem>>
    %dma_start3A_15 = tpu.memref_squeeze %dma_start3A_14 : memref<1x128xi32, #tpu.memory_space<vmem>> -> memref<128xi32, #tpu.memory_space<vmem>>
    %dma_start3A_16 = arith.constant 0 : i32
    %dma_start3A_17 = arith.constant 0 : i32
    %dma_start3A_18 = tpu.memref_slice %arg6[%dma_start3A_16, %dma_start3A_17] : memref<100001x128xf32, #tpu.memory_space<hbm>> -> memref<100001x128xf32, #tpu.memory_space<hbm>>
    tpu.enqueue_indirect_dma source(%dma_start3A_18 : memref<100001x128xf32, #tpu.memory_space<hbm>>) target(%arg13 : memref<128x128xf32, #tpu.memory_space<vmem>>) offsets(%dma_start3A_15 : memref<128xi32, #tpu.memory_space<vmem>>) semaphore(%arg17 : memref<!tpu.dma_semaphore, #tpu.memory_space<semaphore_mem>>)
    %dma_wait3A = arith.constant 0 : i32
    %dma_wait3A_19 = arith.constant 0 : i32
    %dma_wait3A_20 = tpu.memref_slice %arg11[%dma_wait3A, %dma_wait3A_19] : memref<4x512xi32, #tpu.memory_space<vmem>> -> memref<1x128xi32, #tpu.memory_space<vmem>>
    %dma_wait3A_21 = tpu.memref_squeeze %dma_wait3A_20 : memref<1x128xi32, #tpu.memory_space<vmem>> -> memref<128xi32, #tpu.memory_space<vmem>>
    %dma_wait3A_22 = arith.constant 0 : i32
    %dma_wait3A_23 = arith.constant 0 : i32
    %dma_wait3A_24 = tpu.memref_slice %arg6[%dma_wait3A_22, %dma_wait3A_23] : memref<100001x128xf32, #tpu.memory_space<hbm>> -> memref<100001x128xf32, #tpu.memory_space<hbm>>
    tpu.wait_indirect_dma semaphore(%arg16 : memref<!tpu.dma_semaphore, #tpu.memory_space<semaphore_mem>>) src(%dma_wait3A_24 : memref<100001x128xf32, #tpu.memory_space<hbm>>) dst(%arg12 : memref<128x128xf32, #tpu.memory_space<vmem>>)
    %add3A_25 = arith.constant 0 : i32
    %add3A_26 = arith.addi %mul3A_2, %add3A_25 : i32
    %dma_start3A_27 = arith.constant 0 : i32
    %dma_start3A_28 = tpu.memref_slice %arg10[%add3A_26, %dma_start3A_27] : memref<16384x512xf32, #tpu.memory_space<hbm>> -> memref<128x128xf32, #tpu.memory_space<hbm>>
    %dma_start3A_29 = arith.constant 0 : i32
    %dma_start3A_30 = tpu.memref_slice %arg10[%add3A_26, %dma_start3A_29] : memref<16384x512xf32, #tpu.memory_space<hbm>> -> memref<128x128xf32, #tpu.memory_space<hbm>>
    tpu.enqueue_dma source(%arg12 : memref<128x128xf32, #tpu.memory_space<vmem>>) target(%dma_start3A_30 : memref<128x128xf32, #tpu.memory_space<hbm>>) target_semaphore(%arg20 : memref<!tpu.dma_semaphore, #tpu.memory_space<semaphore_mem>>)
    %dma_start3A_31 = arith.constant 0 : i32
    %dma_start3A_32 = arith.constant 256 : i32
    %dma_start3A_33 = tpu.memref_slice %arg11[%dma_start3A_31, %dma_start3A_32] : memref<4x512xi32, #tpu.memory_space<vmem>> -> memref<1x128xi32, #tpu.memory_space<vmem>>
    %dma_start3A_34 = tpu.memref_squeeze %dma_start3A_33 : memref<1x128xi32, #tpu.memory_space<vmem>> -> memref<128xi32, #tpu.memory_space<vmem>>
    %dma_start3A_35 = arith.constant 0 : i32
    %dma_start3A_36 = arith.constant 0 : i32
    %dma_start3A_37 = tpu.memref_slice %arg6[%dma_start3A_35, %dma_start3A_36] : memref<100001x128xf32, #tpu.memory_space<hbm>> -> memref<100001x128xf32, #tpu.memory_space<hbm>>
    tpu.enqueue_indirect_dma source(%dma_start3A_37 : memref<100001x128xf32, #tpu.memory_space<hbm>>) target(%arg14 : memref<128x128xf32, #tpu.memory_space<vmem>>) offsets(%dma_start3A_34 : memref<128xi32, #tpu.memory_space<vmem>>) semaphore(%arg18 : memref<!tpu.dma_semaphore, #tpu.memory_space<semaphore_mem>>)
    %dma_wait3A_38 = arith.constant 0 : i32
    %dma_wait3A_39 = arith.constant 128 : i32
    %dma_wait3A_40 = tpu.memref_slice %arg11[%dma_wait3A_38, %dma_wait3A_39] : memref<4x512xi32, #tpu.memory_space<vmem>> -> memref<1x128xi32, #tpu.memory_space<vmem>>
    %dma_wait3A_41 = tpu.memref_squeeze %dma_wait3A_40 : memref<1x128xi32, #tpu.memory_space<vmem>> -> memref<128xi32, #tpu.memory_space<vmem>>
    %dma_wait3A_42 = arith.constant 0 : i32
    %dma_wait3A_43 = arith.constant 0 : i32
    %dma_wait3A_44 = tpu.memref_slice %arg6[%dma_wait3A_42, %dma_wait3A_43] : memref<100001x128xf32, #tpu.memory_space<hbm>> -> memref<100001x128xf32, #tpu.memory_space<hbm>>
    tpu.wait_indirect_dma semaphore(%arg17 : memref<!tpu.dma_semaphore, #tpu.memory_space<semaphore_mem>>) src(%dma_wait3A_44 : memref<100001x128xf32, #tpu.memory_space<hbm>>) dst(%arg13 : memref<128x128xf32, #tpu.memory_space<vmem>>)
    %add3A_45 = arith.constant 128 : i32
    %add3A_46 = arith.addi %mul3A_2, %add3A_45 : i32
    %dma_start3A_47 = arith.constant 0 : i32
    %dma_start3A_48 = tpu.memref_slice %arg10[%add3A_46, %dma_start3A_47] : memref<16384x512xf32, #tpu.memory_space<hbm>> -> memref<128x128xf32, #tpu.memory_space<hbm>>
    %dma_start3A_49 = arith.constant 0 : i32
    %dma_start3A_50 = tpu.memref_slice %arg10[%add3A_46, %dma_start3A_49] : memref<16384x512xf32, #tpu.memory_space<hbm>> -> memref<128x128xf32, #tpu.memory_space<hbm>>
    tpu.enqueue_dma source(%arg13 : memref<128x128xf32, #tpu.memory_space<vmem>>) target(%dma_start3A_50 : memref<128x128xf32, #tpu.memory_space<hbm>>) target_semaphore(%arg21 : memref<!tpu.dma_semaphore, #tpu.memory_space<semaphore_mem>>)
    %dma_start3A_51 = arith.constant 0 : i32
    %dma_start3A_52 = arith.constant 384 : i32
    %dma_start3A_53 = tpu.memref_slice %arg11[%dma_start3A_51, %dma_start3A_52] : memref<4x512xi32, #tpu.memory_space<vmem>> -> memref<1x128xi32, #tpu.memory_space<vmem>>
    %dma_start3A_54 = tpu.memref_squeeze %dma_start3A_53 : memref<1x128xi32, #tpu.memory_space<vmem>> -> memref<128xi32, #tpu.memory_space<vmem>>
    %dma_start3A_55 = arith.constant 0 : i32
    %dma_start3A_56 = arith.constant 0 : i32
    %dma_start3A_57 = tpu.memref_slice %arg6[%dma_start3A_55, %dma_start3A_56] : memref<100001x128xf32, #tpu.memory_space<hbm>> -> memref<100001x128xf32, #tpu.memory_space<hbm>>
    tpu.enqueue_indirect_dma source(%dma_start3A_57 : memref<100001x128xf32, #tpu.memory_space<hbm>>) target(%arg15 : memref<128x128xf32, #tpu.memory_space<vmem>>) offsets(%dma_start3A_54 : memref<128xi32, #tpu.memory_space<vmem>>) semaphore(%arg19 : memref<!tpu.dma_semaphore, #tpu.memory_space<semaphore_mem>>)
    %dma_wait3A_58 = arith.constant 0 : i32
    %dma_wait3A_59 = arith.constant 256 : i32
    %dma_wait3A_60 = tpu.memref_slice %arg11[%dma_wait3A_58, %dma_wait3A_59] : memref<4x512xi32, #tpu.memory_space<vmem>> -> memref<1x128xi32, #tpu.memory_space<vmem>>
    %dma_wait3A_61 = tpu.memref_squeeze %dma_wait3A_60 : memref<1x128xi32, #tpu.memory_space<vmem>> -> memref<128xi32, #tpu.memory_space<vmem>>
    %dma_wait3A_62 = arith.constant 0 : i32
    %dma_wait3A_63 = arith.constant 0 : i32
    %dma_wait3A_64 = tpu.memref_slice %arg6[%dma_wait3A_62, %dma_wait3A_63] : memref<100001x128xf32, #tpu.memory_space<hbm>> -> memref<100001x128xf32, #tpu.memory_space<hbm>>
    tpu.wait_indirect_dma semaphore(%arg18 : memref<!tpu.dma_semaphore, #tpu.memory_space<semaphore_mem>>) src(%dma_wait3A_64 : memref<100001x128xf32, #tpu.memory_space<hbm>>) dst(%arg14 : memref<128x128xf32, #tpu.memory_space<vmem>>)
    %add3A_65 = arith.constant 256 : i32
    %add3A_66 = arith.addi %mul3A_2, %add3A_65 : i32
    %dma_start3A_67 = arith.constant 0 : i32
    %dma_start3A_68 = tpu.memref_slice %arg10[%add3A_66, %dma_start3A_67] : memref<16384x512xf32, #tpu.memory_space<hbm>> -> memref<128x128xf32, #tpu.memory_space<hbm>>
    %dma_start3A_69 = arith.constant 0 : i32
    %dma_start3A_70 = tpu.memref_slice %arg10[%add3A_66, %dma_start3A_69] : memref<16384x512xf32, #tpu.memory_space<hbm>> -> memref<128x128xf32, #tpu.memory_space<hbm>>
    tpu.enqueue_dma source(%arg14 : memref<128x128xf32, #tpu.memory_space<vmem>>) target(%dma_start3A_70 : memref<128x128xf32, #tpu.memory_space<hbm>>) target_semaphore(%arg22 : memref<!tpu.dma_semaphore, #tpu.memory_space<semaphore_mem>>)
    %dma_wait3A_71 = arith.constant 0 : i32
    %dma_wait3A_72 = tpu.memref_slice %arg10[%add3A_26, %dma_wait3A_71] : memref<16384x512xf32, #tpu.memory_space<hbm>> -> memref<128x128xf32, #tpu.memory_space<hbm>>
    %dma_wait3A_73 = arith.constant 0 : i32
    %dma_wait3A_74 = tpu.memref_slice %arg10[%add3A_26, %dma_wait3A_73] : memref<16384x512xf32, #tpu.memory_space<hbm>> -> memref<128x128xf32, #tpu.memory_space<hbm>>
    tpu.wait_dma2 semaphore(%arg20 : memref<!tpu.dma_semaphore, #tpu.memory_space<semaphore_mem>>) src(%arg12 : memref<128x128xf32, #tpu.memory_space<vmem>>) dst(%dma_wait3A_74 : memref<128x128xf32, #tpu.memory_space<hbm>>)
    %dma_start3A_75 = arith.constant 1 : i32
    %dma_start3A_76 = arith.constant 0 : i32
    %dma_start3A_77 = tpu.memref_slice %arg11[%dma_start3A_75, %dma_start3A_76] : memref<4x512xi32, #tpu.memory_space<vmem>> -> memref<1x128xi32, #tpu.memory_space<vmem>>
    %dma_start3A_78 = tpu.memref_squeeze %dma_start3A_77 : memref<1x128xi32, #tpu.memory_space<vmem>> -> memref<128xi32, #tpu.memory_space<vmem>>
    %dma_start3A_79 = arith.constant 0 : i32
    %dma_start3A_80 = arith.constant 0 : i32
    %dma_start3A_81 = tpu.memref_slice %arg7[%dma_start3A_79, %dma_start3A_80] : memref<100001x128xf32, #tpu.memory_space<hbm>> -> memref<100001x128xf32, #tpu.memory_space<hbm>>
    tpu.enqueue_indirect_dma source(%dma_start3A_81 : memref<100001x128xf32, #tpu.memory_space<hbm>>) target(%arg12 : memref<128x128xf32, #tpu.memory_space<vmem>>) offsets(%dma_start3A_78 : memref<128xi32, #tpu.memory_space<vmem>>) semaphore(%arg16 : memref<!tpu.dma_semaphore, #tpu.memory_space<semaphore_mem>>)
    %dma_wait3A_82 = arith.constant 0 : i32
    %dma_wait3A_83 = arith.constant 384 : i32
    %dma_wait3A_84 = tpu.memref_slice %arg11[%dma_wait3A_82, %dma_wait3A_83] : memref<4x512xi32, #tpu.memory_space<vmem>> -> memref<1x128xi32, #tpu.memory_space<vmem>>
    %dma_wait3A_85 = tpu.memref_squeeze %dma_wait3A_84 : memref<1x128xi32, #tpu.memory_space<vmem>> -> memref<128xi32, #tpu.memory_space<vmem>>
    %dma_wait3A_86 = arith.constant 0 : i32
    %dma_wait3A_87 = arith.constant 0 : i32
    %dma_wait3A_88 = tpu.memref_slice %arg6[%dma_wait3A_86, %dma_wait3A_87] : memref<100001x128xf32, #tpu.memory_space<hbm>> -> memref<100001x128xf32, #tpu.memory_space<hbm>>
    tpu.wait_indirect_dma semaphore(%arg19 : memref<!tpu.dma_semaphore, #tpu.memory_space<semaphore_mem>>) src(%dma_wait3A_88 : memref<100001x128xf32, #tpu.memory_space<hbm>>) dst(%arg15 : memref<128x128xf32, #tpu.memory_space<vmem>>)
    %add3A_89 = arith.constant 384 : i32
    %add3A_90 = arith.addi %mul3A_2, %add3A_89 : i32
    %dma_start3A_91 = arith.constant 0 : i32
    %dma_start3A_92 = tpu.memref_slice %arg10[%add3A_90, %dma_start3A_91] : memref<16384x512xf32, #tpu.memory_space<hbm>> -> memref<128x128xf32, #tpu.memory_space<hbm>>
    %dma_start3A_93 = arith.constant 0 : i32
    %dma_start3A_94 = tpu.memref_slice %arg10[%add3A_90, %dma_start3A_93] : memref<16384x512xf32, #tpu.memory_space<hbm>> -> memref<128x128xf32, #tpu.memory_space<hbm>>
    tpu.enqueue_dma source(%arg15 : memref<128x128xf32, #tpu.memory_space<vmem>>) target(%dma_start3A_94 : memref<128x128xf32, #tpu.memory_space<hbm>>) target_semaphore(%arg23 : memref<!tpu.dma_semaphore, #tpu.memory_space<semaphore_mem>>)
    %dma_wait3A_95 = arith.constant 0 : i32
    %dma_wait3A_96 = tpu.memref_slice %arg10[%add3A_46, %dma_wait3A_95] : memref<16384x512xf32, #tpu.memory_space<hbm>> -> memref<128x128xf32, #tpu.memory_space<hbm>>
    %dma_wait3A_97 = arith.constant 0 : i32
    %dma_wait3A_98 = tpu.memref_slice %arg10[%add3A_46, %dma_wait3A_97] : memref<16384x512xf32, #tpu.memory_space<hbm>> -> memref<128x128xf32, #tpu.memory_space<hbm>>
    tpu.wait_dma2 semaphore(%arg21 : memref<!tpu.dma_semaphore, #tpu.memory_space<semaphore_mem>>) src(%arg13 : memref<128x128xf32, #tpu.memory_space<vmem>>) dst(%dma_wait3A_98 : memref<128x128xf32, #tpu.memory_space<hbm>>)
    %dma_start3A_99 = arith.constant 1 : i32
    %dma_start3A_100 = arith.constant 128 : i32
    %dma_start3A_101 = tpu.memref_slice %arg11[%dma_start3A_99, %dma_start3A_100] : memref<4x512xi32, #tpu.memory_space<vmem>> -> memref<1x128xi32, #tpu.memory_space<vmem>>
    %dma_start3A_102 = tpu.memref_squeeze %dma_start3A_101 : memref<1x128xi32, #tpu.memory_space<vmem>> -> memref<128xi32, #tpu.memory_space<vmem>>
    %dma_start3A_103 = arith.constant 0 : i32
    %dma_start3A_104 = arith.constant 0 : i32
    %dma_start3A_105 = tpu.memref_slice %arg7[%dma_start3A_103, %dma_start3A_104] : memref<100001x128xf32, #tpu.memory_space<hbm>> -> memref<100001x128xf32, #tpu.memory_space<hbm>>
    tpu.enqueue_indirect_dma source(%dma_start3A_105 : memref<100001x128xf32, #tpu.memory_space<hbm>>) target(%arg13 : memref<128x128xf32, #tpu.memory_space<vmem>>) offsets(%dma_start3A_102 : memref<128xi32, #tpu.memory_space<vmem>>) semaphore(%arg17 : memref<!tpu.dma_semaphore, #tpu.memory_space<semaphore_mem>>)
    %dma_wait3A_106 = arith.constant 1 : i32
    %dma_wait3A_107 = arith.constant 0 : i32
    %dma_wait3A_108 = tpu.memref_slice %arg11[%dma_wait3A_106, %dma_wait3A_107] : memref<4x512xi32, #tpu.memory_space<vmem>> -> memref<1x128xi32, #tpu.memory_space<vmem>>
    %dma_wait3A_109 = tpu.memref_squeeze %dma_wait3A_108 : memref<1x128xi32, #tpu.memory_space<vmem>> -> memref<128xi32, #tpu.memory_space<vmem>>
    %dma_wait3A_110 = arith.constant 0 : i32
    %dma_wait3A_111 = arith.constant 0 : i32
    %dma_wait3A_112 = tpu.memref_slice %arg7[%dma_wait3A_110, %dma_wait3A_111] : memref<100001x128xf32, #tpu.memory_space<hbm>> -> memref<100001x128xf32, #tpu.memory_space<hbm>>
    tpu.wait_indirect_dma semaphore(%arg16 : memref<!tpu.dma_semaphore, #tpu.memory_space<semaphore_mem>>) src(%dma_wait3A_112 : memref<100001x128xf32, #tpu.memory_space<hbm>>) dst(%arg12 : memref<128x128xf32, #tpu.memory_space<vmem>>)
    %add3A_113 = arith.constant 0 : i32
    %add3A_114 = arith.addi %mul3A_2, %add3A_113 : i32
    %dma_start3A_115 = arith.constant 128 : i32
    %dma_start3A_116 = tpu.memref_slice %arg10[%add3A_114, %dma_start3A_115] : memref<16384x512xf32, #tpu.memory_space<hbm>> -> memref<128x128xf32, #tpu.memory_space<hbm>>
    %dma_start3A_117 = arith.constant 128 : i32
    %dma_start3A_118 = tpu.memref_slice %arg10[%add3A_114, %dma_start3A_117] : memref<16384x512xf32, #tpu.memory_space<hbm>> -> memref<128x128xf32, #tpu.memory_space<hbm>>
    tpu.enqueue_dma source(%arg12 : memref<128x128xf32, #tpu.memory_space<vmem>>) target(%dma_start3A_118 : memref<128x128xf32, #tpu.memory_space<hbm>>) target_semaphore(%arg20 : memref<!tpu.dma_semaphore, #tpu.memory_space<semaphore_mem>>)
    %dma_wait3A_119 = arith.constant 0 : i32
    %dma_wait3A_120 = tpu.memref_slice %arg10[%add3A_66, %dma_wait3A_119] : memref<16384x512xf32, #tpu.memory_space<hbm>> -> memref<128x128xf32, #tpu.memory_space<hbm>>
    %dma_wait3A_121 = arith.constant 0 : i32
    %dma_wait3A_122 = tpu.memref_slice %arg10[%add3A_66, %dma_wait3A_121] : memref<16384x512xf32, #tpu.memory_space<hbm>> -> memref<128x128xf32, #tpu.memory_space<hbm>>
    tpu.wait_dma2 semaphore(%arg22 : memref<!tpu.dma_semaphore, #tpu.memory_space<semaphore_mem>>) src(%arg14 : memref<128x128xf32, #tpu.memory_space<vmem>>) dst(%dma_wait3A_122 : memref<128x128xf32, #tpu.memory_space<hbm>>)
    %dma_start3A_123 = arith.constant 1 : i32
    %dma_start3A_124 = arith.constant 256 : i32
    %dma_start3A_125 = tpu.memref_slice %arg11[%dma_start3A_123, %dma_start3A_124] : memref<4x512xi32, #tpu.memory_space<vmem>> -> memref<1x128xi32, #tpu.memory_space<vmem>>
    %dma_start3A_126 = tpu.memref_squeeze %dma_start3A_125 : memref<1x128xi32, #tpu.memory_space<vmem>> -> memref<128xi32, #tpu.memory_space<vmem>>
    %dma_start3A_127 = arith.constant 0 : i32
    %dma_start3A_128 = arith.constant 0 : i32
    %dma_start3A_129 = tpu.memref_slice %arg7[%dma_start3A_127, %dma_start3A_128] : memref<100001x128xf32, #tpu.memory_space<hbm>> -> memref<100001x128xf32, #tpu.memory_space<hbm>>
    tpu.enqueue_indirect_dma source(%dma_start3A_129 : memref<100001x128xf32, #tpu.memory_space<hbm>>) target(%arg14 : memref<128x128xf32, #tpu.memory_space<vmem>>) offsets(%dma_start3A_126 : memref<128xi32, #tpu.memory_space<vmem>>) semaphore(%arg18 : memref<!tpu.dma_semaphore, #tpu.memory_space<semaphore_mem>>)
    %dma_wait3A_130 = arith.constant 1 : i32
    %dma_wait3A_131 = arith.constant 128 : i32
    %dma_wait3A_132 = tpu.memref_slice %arg11[%dma_wait3A_130, %dma_wait3A_131] : memref<4x512xi32, #tpu.memory_space<vmem>> -> memref<1x128xi32, #tpu.memory_space<vmem>>
    %dma_wait3A_133 = tpu.memref_squeeze %dma_wait3A_132 : memref<1x128xi32, #tpu.memory_space<vmem>> -> memref<128xi32, #tpu.memory_space<vmem>>
    %dma_wait3A_134 = arith.constant 0 : i32
    %dma_wait3A_135 = arith.constant 0 : i32
    %dma_wait3A_136 = tpu.memref_slice %arg7[%dma_wait3A_134, %dma_wait3A_135] : memref<100001x128xf32, #tpu.memory_space<hbm>> -> memref<100001x128xf32, #tpu.memory_space<hbm>>
    tpu.wait_indirect_dma semaphore(%arg17 : memref<!tpu.dma_semaphore, #tpu.memory_space<semaphore_mem>>) src(%dma_wait3A_136 : memref<100001x128xf32, #tpu.memory_space<hbm>>) dst(%arg13 : memref<128x128xf32, #tpu.memory_space<vmem>>)
    %add3A_137 = arith.constant 128 : i32
    %add3A_138 = arith.addi %mul3A_2, %add3A_137 : i32
    %dma_start3A_139 = arith.constant 128 : i32
    %dma_start3A_140 = tpu.memref_slice %arg10[%add3A_138, %dma_start3A_139] : memref<16384x512xf32, #tpu.memory_space<hbm>> -> memref<128x128xf32, #tpu.memory_space<hbm>>
    %dma_start3A_141 = arith.constant 128 : i32
    %dma_start3A_142 = tpu.memref_slice %arg10[%add3A_138, %dma_start3A_141] : memref<16384x512xf32, #tpu.memory_space<hbm>> -> memref<128x128xf32, #tpu.memory_space<hbm>>
    tpu.enqueue_dma source(%arg13 : memref<128x128xf32, #tpu.memory_space<vmem>>) target(%dma_start3A_142 : memref<128x128xf32, #tpu.memory_space<hbm>>) target_semaphore(%arg21 : memref<!tpu.dma_semaphore, #tpu.memory_space<semaphore_mem>>)
    %dma_wait3A_143 = arith.constant 0 : i32
    %dma_wait3A_144 = tpu.memref_slice %arg10[%add3A_90, %dma_wait3A_143] : memref<16384x512xf32, #tpu.memory_space<hbm>> -> memref<128x128xf32, #tpu.memory_space<hbm>>
    %dma_wait3A_145 = arith.constant 0 : i32
    %dma_wait3A_146 = tpu.memref_slice %arg10[%add3A_90, %dma_wait3A_145] : memref<16384x512xf32, #tpu.memory_space<hbm>> -> memref<128x128xf32, #tpu.memory_space<hbm>>
    tpu.wait_dma2 semaphore(%arg23 : memref<!tpu.dma_semaphore, #tpu.memory_space<semaphore_mem>>) src(%arg15 : memref<128x128xf32, #tpu.memory_space<vmem>>) dst(%dma_wait3A_146 : memref<128x128xf32, #tpu.memory_space<hbm>>)
    %dma_start3A_147 = arith.constant 1 : i32
    %dma_start3A_148 = arith.constant 384 : i32
    %dma_start3A_149 = tpu.memref_slice %arg11[%dma_start3A_147, %dma_start3A_148] : memref<4x512xi32, #tpu.memory_space<vmem>> -> memref<1x128xi32, #tpu.memory_space<vmem>>
    %dma_start3A_150 = tpu.memref_squeeze %dma_start3A_149 : memref<1x128xi32, #tpu.memory_space<vmem>> -> memref<128xi32, #tpu.memory_space<vmem>>
    %dma_start3A_151 = arith.constant 0 : i32
    %dma_start3A_152 = arith.constant 0 : i32
    %dma_start3A_153 = tpu.memref_slice %arg7[%dma_start3A_151, %dma_start3A_152] : memref<100001x128xf32, #tpu.memory_space<hbm>> -> memref<100001x128xf32, #tpu.memory_space<hbm>>
    tpu.enqueue_indirect_dma source(%dma_start3A_153 : memref<100001x128xf32, #tpu.memory_space<hbm>>) target(%arg15 : memref<128x128xf32, #tpu.memory_space<vmem>>) offsets(%dma_start3A_150 : memref<128xi32, #tpu.memory_space<vmem>>) semaphore(%arg19 : memref<!tpu.dma_semaphore, #tpu.memory_space<semaphore_mem>>)
    %dma_wait3A_154 = arith.constant 1 : i32
    %dma_wait3A_155 = arith.constant 256 : i32
    %dma_wait3A_156 = tpu.memref_slice %arg11[%dma_wait3A_154, %dma_wait3A_155] : memref<4x512xi32, #tpu.memory_space<vmem>> -> memref<1x128xi32, #tpu.memory_space<vmem>>
    %dma_wait3A_157 = tpu.memref_squeeze %dma_wait3A_156 : memref<1x128xi32, #tpu.memory_space<vmem>> -> memref<128xi32, #tpu.memory_space<vmem>>
    %dma_wait3A_158 = arith.constant 0 : i32
    %dma_wait3A_159 = arith.constant 0 : i32
    %dma_wait3A_160 = tpu.memref_slice %arg7[%dma_wait3A_158, %dma_wait3A_159] : memref<100001x128xf32, #tpu.memory_space<hbm>> -> memref<100001x128xf32, #tpu.memory_space<hbm>>
    tpu.wait_indirect_dma semaphore(%arg18 : memref<!tpu.dma_semaphore, #tpu.memory_space<semaphore_mem>>) src(%dma_wait3A_160 : memref<100001x128xf32, #tpu.memory_space<hbm>>) dst(%arg14 : memref<128x128xf32, #tpu.memory_space<vmem>>)
    %add3A_161 = arith.constant 256 : i32
    %add3A_162 = arith.addi %mul3A_2, %add3A_161 : i32
    %dma_start3A_163 = arith.constant 128 : i32
    %dma_start3A_164 = tpu.memref_slice %arg10[%add3A_162, %dma_start3A_163] : memref<16384x512xf32, #tpu.memory_space<hbm>> -> memref<128x128xf32, #tpu.memory_space<hbm>>
    %dma_start3A_165 = arith.constant 128 : i32
    %dma_start3A_166 = tpu.memref_slice %arg10[%add3A_162, %dma_start3A_165] : memref<16384x512xf32, #tpu.memory_space<hbm>> -> memref<128x128xf32, #tpu.memory_space<hbm>>
    tpu.enqueue_dma source(%arg14 : memref<128x128xf32, #tpu.memory_space<vmem>>) target(%dma_start3A_166 : memref<128x128xf32, #tpu.memory_space<hbm>>) target_semaphore(%arg22 : memref<!tpu.dma_semaphore, #tpu.memory_space<semaphore_mem>>)
    %dma_wait3A_167 = arith.constant 128 : i32
    %dma_wait3A_168 = tpu.memref_slice %arg10[%add3A_114, %dma_wait3A_167] : memref<16384x512xf32, #tpu.memory_space<hbm>> -> memref<128x128xf32, #tpu.memory_space<hbm>>
    %dma_wait3A_169 = arith.constant 128 : i32
    %dma_wait3A_170 = tpu.memref_slice %arg10[%add3A_114, %dma_wait3A_169] : memref<16384x512xf32, #tpu.memory_space<hbm>> -> memref<128x128xf32, #tpu.memory_space<hbm>>
    tpu.wait_dma2 semaphore(%arg20 : memref<!tpu.dma_semaphore, #tpu.memory_space<semaphore_mem>>) src(%arg12 : memref<128x128xf32, #tpu.memory_space<vmem>>) dst(%dma_wait3A_170 : memref<128x128xf32, #tpu.memory_space<hbm>>)
    %dma_start3A_171 = arith.constant 2 : i32
    %dma_start3A_172 = arith.constant 0 : i32
    %dma_start3A_173 = tpu.memref_slice %arg11[%dma_start3A_171, %dma_start3A_172] : memref<4x512xi32, #tpu.memory_space<vmem>> -> memref<1x128xi32, #tpu.memory_space<vmem>>
    %dma_start3A_174 = tpu.memref_squeeze %dma_start3A_173 : memref<1x128xi32, #tpu.memory_space<vmem>> -> memref<128xi32, #tpu.memory_space<vmem>>
    %dma_start3A_175 = arith.constant 0 : i32
    %dma_start3A_176 = arith.constant 0 : i32
    %dma_start3A_177 = tpu.memref_slice %arg8[%dma_start3A_175, %dma_start3A_176] : memref<100001x128xf32, #tpu.memory_space<hbm>> -> memref<100001x128xf32, #tpu.memory_space<hbm>>
    tpu.enqueue_indirect_dma source(%dma_start3A_177 : memref<100001x128xf32, #tpu.memory_space<hbm>>) target(%arg12 : memref<128x128xf32, #tpu.memory_space<vmem>>) offsets(%dma_start3A_174 : memref<128xi32, #tpu.memory_space<vmem>>) semaphore(%arg16 : memref<!tpu.dma_semaphore, #tpu.memory_space<semaphore_mem>>)
    %dma_wait3A_178 = arith.constant 1 : i32
    %dma_wait3A_179 = arith.constant 384 : i32
    %dma_wait3A_180 = tpu.memref_slice %arg11[%dma_wait3A_178, %dma_wait3A_179] : memref<4x512xi32, #tpu.memory_space<vmem>> -> memref<1x128xi32, #tpu.memory_space<vmem>>
    %dma_wait3A_181 = tpu.memref_squeeze %dma_wait3A_180 : memref<1x128xi32, #tpu.memory_space<vmem>> -> memref<128xi32, #tpu.memory_space<vmem>>
    %dma_wait3A_182 = arith.constant 0 : i32
    %dma_wait3A_183 = arith.constant 0 : i32
    %dma_wait3A_184 = tpu.memref_slice %arg7[%dma_wait3A_182, %dma_wait3A_183] : memref<100001x128xf32, #tpu.memory_space<hbm>> -> memref<100001x128xf32, #tpu.memory_space<hbm>>
    tpu.wait_indirect_dma semaphore(%arg19 : memref<!tpu.dma_semaphore, #tpu.memory_space<semaphore_mem>>) src(%dma_wait3A_184 : memref<100001x128xf32, #tpu.memory_space<hbm>>) dst(%arg15 : memref<128x128xf32, #tpu.memory_space<vmem>>)
    %add3A_185 = arith.constant 384 : i32
    %add3A_186 = arith.addi %mul3A_2, %add3A_185 : i32
    %dma_start3A_187 = arith.constant 128 : i32
    %dma_start3A_188 = tpu.memref_slice %arg10[%add3A_186, %dma_start3A_187] : memref<16384x512xf32, #tpu.memory_space<hbm>> -> memref<128x128xf32, #tpu.memory_space<hbm>>
    %dma_start3A_189 = arith.constant 128 : i32
    %dma_start3A_190 = tpu.memref_slice %arg10[%add3A_186, %dma_start3A_189] : memref<16384x512xf32, #tpu.memory_space<hbm>> -> memref<128x128xf32, #tpu.memory_space<hbm>>
    tpu.enqueue_dma source(%arg15 : memref<128x128xf32, #tpu.memory_space<vmem>>) target(%dma_start3A_190 : memref<128x128xf32, #tpu.memory_space<hbm>>) target_semaphore(%arg23 : memref<!tpu.dma_semaphore, #tpu.memory_space<semaphore_mem>>)
    %dma_wait3A_191 = arith.constant 128 : i32
    %dma_wait3A_192 = tpu.memref_slice %arg10[%add3A_138, %dma_wait3A_191] : memref<16384x512xf32, #tpu.memory_space<hbm>> -> memref<128x128xf32, #tpu.memory_space<hbm>>
    %dma_wait3A_193 = arith.constant 128 : i32
    %dma_wait3A_194 = tpu.memref_slice %arg10[%add3A_138, %dma_wait3A_193] : memref<16384x512xf32, #tpu.memory_space<hbm>> -> memref<128x128xf32, #tpu.memory_space<hbm>>
    tpu.wait_dma2 semaphore(%arg21 : memref<!tpu.dma_semaphore, #tpu.memory_space<semaphore_mem>>) src(%arg13 : memref<128x128xf32, #tpu.memory_space<vmem>>) dst(%dma_wait3A_194 : memref<128x128xf32, #tpu.memory_space<hbm>>)
    %dma_start3A_195 = arith.constant 2 : i32
    %dma_start3A_196 = arith.constant 128 : i32
    %dma_start3A_197 = tpu.memref_slice %arg11[%dma_start3A_195, %dma_start3A_196] : memref<4x512xi32, #tpu.memory_space<vmem>> -> memref<1x128xi32, #tpu.memory_space<vmem>>
    %dma_start3A_198 = tpu.memref_squeeze %dma_start3A_197 : memref<1x128xi32, #tpu.memory_space<vmem>> -> memref<128xi32, #tpu.memory_space<vmem>>
    %dma_start3A_199 = arith.constant 0 : i32
    %dma_start3A_200 = arith.constant 0 : i32
    %dma_start3A_201 = tpu.memref_slice %arg8[%dma_start3A_199, %dma_start3A_200] : memref<100001x128xf32, #tpu.memory_space<hbm>> -> memref<100001x128xf32, #tpu.memory_space<hbm>>
    tpu.enqueue_indirect_dma source(%dma_start3A_201 : memref<100001x128xf32, #tpu.memory_space<hbm>>) target(%arg13 : memref<128x128xf32, #tpu.memory_space<vmem>>) offsets(%dma_start3A_198 : memref<128xi32, #tpu.memory_space<vmem>>) semaphore(%arg17 : memref<!tpu.dma_semaphore, #tpu.memory_space<semaphore_mem>>)
    %dma_wait3A_202 = arith.constant 2 : i32
    %dma_wait3A_203 = arith.constant 0 : i32
    %dma_wait3A_204 = tpu.memref_slice %arg11[%dma_wait3A_202, %dma_wait3A_203] : memref<4x512xi32, #tpu.memory_space<vmem>> -> memref<1x128xi32, #tpu.memory_space<vmem>>
    %dma_wait3A_205 = tpu.memref_squeeze %dma_wait3A_204 : memref<1x128xi32, #tpu.memory_space<vmem>> -> memref<128xi32, #tpu.memory_space<vmem>>
    %dma_wait3A_206 = arith.constant 0 : i32
    %dma_wait3A_207 = arith.constant 0 : i32
    %dma_wait3A_208 = tpu.memref_slice %arg8[%dma_wait3A_206, %dma_wait3A_207] : memref<100001x128xf32, #tpu.memory_space<hbm>> -> memref<100001x128xf32, #tpu.memory_space<hbm>>
    tpu.wait_indirect_dma semaphore(%arg16 : memref<!tpu.dma_semaphore, #tpu.memory_space<semaphore_mem>>) src(%dma_wait3A_208 : memref<100001x128xf32, #tpu.memory_space<hbm>>) dst(%arg12 : memref<128x128xf32, #tpu.memory_space<vmem>>)
    %add3A_209 = arith.constant 0 : i32
    %add3A_210 = arith.addi %mul3A_2, %add3A_209 : i32
    %dma_start3A_211 = arith.constant 256 : i32
    %dma_start3A_212 = tpu.memref_slice %arg10[%add3A_210, %dma_start3A_211] : memref<16384x512xf32, #tpu.memory_space<hbm>> -> memref<128x128xf32, #tpu.memory_space<hbm>>
    %dma_start3A_213 = arith.constant 256 : i32
    %dma_start3A_214 = tpu.memref_slice %arg10[%add3A_210, %dma_start3A_213] : memref<16384x512xf32, #tpu.memory_space<hbm>> -> memref<128x128xf32, #tpu.memory_space<hbm>>
    tpu.enqueue_dma source(%arg12 : memref<128x128xf32, #tpu.memory_space<vmem>>) target(%dma_start3A_214 : memref<128x128xf32, #tpu.memory_space<hbm>>) target_semaphore(%arg20 : memref<!tpu.dma_semaphore, #tpu.memory_space<semaphore_mem>>)
    %dma_wait3A_215 = arith.constant 128 : i32
    %dma_wait3A_216 = tpu.memref_slice %arg10[%add3A_162, %dma_wait3A_215] : memref<16384x512xf32, #tpu.memory_space<hbm>> -> memref<128x128xf32, #tpu.memory_space<hbm>>
    %dma_wait3A_217 = arith.constant 128 : i32
    %dma_wait3A_218 = tpu.memref_slice %arg10[%add3A_162, %dma_wait3A_217] : memref<16384x512xf32, #tpu.memory_space<hbm>> -> memref<128x128xf32, #tpu.memory_space<hbm>>
    tpu.wait_dma2 semaphore(%arg22 : memref<!tpu.dma_semaphore, #tpu.memory_space<semaphore_mem>>) src(%arg14 : memref<128x128xf32, #tpu.memory_space<vmem>>) dst(%dma_wait3A_218 : memref<128x128xf32, #tpu.memory_space<hbm>>)
    %dma_start3A_219 = arith.constant 2 : i32
    %dma_start3A_220 = arith.constant 256 : i32
    %dma_start3A_221 = tpu.memref_slice %arg11[%dma_start3A_219, %dma_start3A_220] : memref<4x512xi32, #tpu.memory_space<vmem>> -> memref<1x128xi32, #tpu.memory_space<vmem>>
    %dma_start3A_222 = tpu.memref_squeeze %dma_start3A_221 : memref<1x128xi32, #tpu.memory_space<vmem>> -> memref<128xi32, #tpu.memory_space<vmem>>
    %dma_start3A_223 = arith.constant 0 : i32
    %dma_start3A_224 = arith.constant 0 : i32
    %dma_start3A_225 = tpu.memref_slice %arg8[%dma_start3A_223, %dma_start3A_224] : memref<100001x128xf32, #tpu.memory_space<hbm>> -> memref<100001x128xf32, #tpu.memory_space<hbm>>
    tpu.enqueue_indirect_dma source(%dma_start3A_225 : memref<100001x128xf32, #tpu.memory_space<hbm>>) target(%arg14 : memref<128x128xf32, #tpu.memory_space<vmem>>) offsets(%dma_start3A_222 : memref<128xi32, #tpu.memory_space<vmem>>) semaphore(%arg18 : memref<!tpu.dma_semaphore, #tpu.memory_space<semaphore_mem>>)
    %dma_wait3A_226 = arith.constant 2 : i32
    %dma_wait3A_227 = arith.constant 128 : i32
    %dma_wait3A_228 = tpu.memref_slice %arg11[%dma_wait3A_226, %dma_wait3A_227] : memref<4x512xi32, #tpu.memory_space<vmem>> -> memref<1x128xi32, #tpu.memory_space<vmem>>
    %dma_wait3A_229 = tpu.memref_squeeze %dma_wait3A_228 : memref<1x128xi32, #tpu.memory_space<vmem>> -> memref<128xi32, #tpu.memory_space<vmem>>
    %dma_wait3A_230 = arith.constant 0 : i32
    %dma_wait3A_231 = arith.constant 0 : i32
    %dma_wait3A_232 = tpu.memref_slice %arg8[%dma_wait3A_230, %dma_wait3A_231] : memref<100001x128xf32, #tpu.memory_space<hbm>> -> memref<100001x128xf32, #tpu.memory_space<hbm>>
    tpu.wait_indirect_dma semaphore(%arg17 : memref<!tpu.dma_semaphore, #tpu.memory_space<semaphore_mem>>) src(%dma_wait3A_232 : memref<100001x128xf32, #tpu.memory_space<hbm>>) dst(%arg13 : memref<128x128xf32, #tpu.memory_space<vmem>>)
    %add3A_233 = arith.constant 128 : i32
    %add3A_234 = arith.addi %mul3A_2, %add3A_233 : i32
    %dma_start3A_235 = arith.constant 256 : i32
    %dma_start3A_236 = tpu.memref_slice %arg10[%add3A_234, %dma_start3A_235] : memref<16384x512xf32, #tpu.memory_space<hbm>> -> memref<128x128xf32, #tpu.memory_space<hbm>>
    %dma_start3A_237 = arith.constant 256 : i32
    %dma_start3A_238 = tpu.memref_slice %arg10[%add3A_234, %dma_start3A_237] : memref<16384x512xf32, #tpu.memory_space<hbm>> -> memref<128x128xf32, #tpu.memory_space<hbm>>
    tpu.enqueue_dma source(%arg13 : memref<128x128xf32, #tpu.memory_space<vmem>>) target(%dma_start3A_238 : memref<128x128xf32, #tpu.memory_space<hbm>>) target_semaphore(%arg21 : memref<!tpu.dma_semaphore, #tpu.memory_space<semaphore_mem>>)
    %dma_wait3A_239 = arith.constant 128 : i32
    %dma_wait3A_240 = tpu.memref_slice %arg10[%add3A_186, %dma_wait3A_239] : memref<16384x512xf32, #tpu.memory_space<hbm>> -> memref<128x128xf32, #tpu.memory_space<hbm>>
    %dma_wait3A_241 = arith.constant 128 : i32
    %dma_wait3A_242 = tpu.memref_slice %arg10[%add3A_186, %dma_wait3A_241] : memref<16384x512xf32, #tpu.memory_space<hbm>> -> memref<128x128xf32, #tpu.memory_space<hbm>>
    tpu.wait_dma2 semaphore(%arg23 : memref<!tpu.dma_semaphore, #tpu.memory_space<semaphore_mem>>) src(%arg15 : memref<128x128xf32, #tpu.memory_space<vmem>>) dst(%dma_wait3A_242 : memref<128x128xf32, #tpu.memory_space<hbm>>)
    %dma_start3A_243 = arith.constant 2 : i32
    %dma_start3A_244 = arith.constant 384 : i32
    %dma_start3A_245 = tpu.memref_slice %arg11[%dma_start3A_243, %dma_start3A_244] : memref<4x512xi32, #tpu.memory_space<vmem>> -> memref<1x128xi32, #tpu.memory_space<vmem>>
    %dma_start3A_246 = tpu.memref_squeeze %dma_start3A_245 : memref<1x128xi32, #tpu.memory_space<vmem>> -> memref<128xi32, #tpu.memory_space<vmem>>
    %dma_start3A_247 = arith.constant 0 : i32
    %dma_start3A_248 = arith.constant 0 : i32
    %dma_start3A_249 = tpu.memref_slice %arg8[%dma_start3A_247, %dma_start3A_248] : memref<100001x128xf32, #tpu.memory_space<hbm>> -> memref<100001x128xf32, #tpu.memory_space<hbm>>
    tpu.enqueue_indirect_dma source(%dma_start3A_249 : memref<100001x128xf32, #tpu.memory_space<hbm>>) target(%arg15 : memref<128x128xf32, #tpu.memory_space<vmem>>) offsets(%dma_start3A_246 : memref<128xi32, #tpu.memory_space<vmem>>) semaphore(%arg19 : memref<!tpu.dma_semaphore, #tpu.memory_space<semaphore_mem>>)
    %dma_wait3A_250 = arith.constant 2 : i32
    %dma_wait3A_251 = arith.constant 256 : i32
    %dma_wait3A_252 = tpu.memref_slice %arg11[%dma_wait3A_250, %dma_wait3A_251] : memref<4x512xi32, #tpu.memory_space<vmem>> -> memref<1x128xi32, #tpu.memory_space<vmem>>
    %dma_wait3A_253 = tpu.memref_squeeze %dma_wait3A_252 : memref<1x128xi32, #tpu.memory_space<vmem>> -> memref<128xi32, #tpu.memory_space<vmem>>
    %dma_wait3A_254 = arith.constant 0 : i32
    %dma_wait3A_255 = arith.constant 0 : i32
    %dma_wait3A_256 = tpu.memref_slice %arg8[%dma_wait3A_254, %dma_wait3A_255] : memref<100001x128xf32, #tpu.memory_space<hbm>> -> memref<100001x128xf32, #tpu.memory_space<hbm>>
    tpu.wait_indirect_dma semaphore(%arg18 : memref<!tpu.dma_semaphore, #tpu.memory_space<semaphore_mem>>) src(%dma_wait3A_256 : memref<100001x128xf32, #tpu.memory_space<hbm>>) dst(%arg14 : memref<128x128xf32, #tpu.memory_space<vmem>>)
    %add3A_257 = arith.constant 256 : i32
    %add3A_258 = arith.addi %mul3A_2, %add3A_257 : i32
    %dma_start3A_259 = arith.constant 256 : i32
    %dma_start3A_260 = tpu.memref_slice %arg10[%add3A_258, %dma_start3A_259] : memref<16384x512xf32, #tpu.memory_space<hbm>> -> memref<128x128xf32, #tpu.memory_space<hbm>>
    %dma_start3A_261 = arith.constant 256 : i32
    %dma_start3A_262 = tpu.memref_slice %arg10[%add3A_258, %dma_start3A_261] : memref<16384x512xf32, #tpu.memory_space<hbm>> -> memref<128x128xf32, #tpu.memory_space<hbm>>
    tpu.enqueue_dma source(%arg14 : memref<128x128xf32, #tpu.memory_space<vmem>>) target(%dma_start3A_262 : memref<128x128xf32, #tpu.memory_space<hbm>>) target_semaphore(%arg22 : memref<!tpu.dma_semaphore, #tpu.memory_space<semaphore_mem>>)
    %dma_wait3A_263 = arith.constant 256 : i32
    %dma_wait3A_264 = tpu.memref_slice %arg10[%add3A_210, %dma_wait3A_263] : memref<16384x512xf32, #tpu.memory_space<hbm>> -> memref<128x128xf32, #tpu.memory_space<hbm>>
    %dma_wait3A_265 = arith.constant 256 : i32
    %dma_wait3A_266 = tpu.memref_slice %arg10[%add3A_210, %dma_wait3A_265] : memref<16384x512xf32, #tpu.memory_space<hbm>> -> memref<128x128xf32, #tpu.memory_space<hbm>>
    tpu.wait_dma2 semaphore(%arg20 : memref<!tpu.dma_semaphore, #tpu.memory_space<semaphore_mem>>) src(%arg12 : memref<128x128xf32, #tpu.memory_space<vmem>>) dst(%dma_wait3A_266 : memref<128x128xf32, #tpu.memory_space<hbm>>)
    %dma_start3A_267 = arith.constant 3 : i32
    %dma_start3A_268 = arith.constant 0 : i32
    %dma_start3A_269 = tpu.memref_slice %arg11[%dma_start3A_267, %dma_start3A_268] : memref<4x512xi32, #tpu.memory_space<vmem>> -> memref<1x128xi32, #tpu.memory_space<vmem>>
    %dma_start3A_270 = tpu.memref_squeeze %dma_start3A_269 : memref<1x128xi32, #tpu.memory_space<vmem>> -> memref<128xi32, #tpu.memory_space<vmem>>
    %dma_start3A_271 = arith.constant 0 : i32
    %dma_start3A_272 = arith.constant 0 : i32
    %dma_start3A_273 = tpu.memref_slice %arg9[%dma_start3A_271, %dma_start3A_272] : memref<100001x128xf32, #tpu.memory_space<hbm>> -> memref<100001x128xf32, #tpu.memory_space<hbm>>
    tpu.enqueue_indirect_dma source(%dma_start3A_273 : memref<100001x128xf32, #tpu.memory_space<hbm>>) target(%arg12 : memref<128x128xf32, #tpu.memory_space<vmem>>) offsets(%dma_start3A_270 : memref<128xi32, #tpu.memory_space<vmem>>) semaphore(%arg16 : memref<!tpu.dma_semaphore, #tpu.memory_space<semaphore_mem>>)
    %dma_wait3A_274 = arith.constant 2 : i32
    %dma_wait3A_275 = arith.constant 384 : i32
    %dma_wait3A_276 = tpu.memref_slice %arg11[%dma_wait3A_274, %dma_wait3A_275] : memref<4x512xi32, #tpu.memory_space<vmem>> -> memref<1x128xi32, #tpu.memory_space<vmem>>
    %dma_wait3A_277 = tpu.memref_squeeze %dma_wait3A_276 : memref<1x128xi32, #tpu.memory_space<vmem>> -> memref<128xi32, #tpu.memory_space<vmem>>
    %dma_wait3A_278 = arith.constant 0 : i32
    %dma_wait3A_279 = arith.constant 0 : i32
    %dma_wait3A_280 = tpu.memref_slice %arg8[%dma_wait3A_278, %dma_wait3A_279] : memref<100001x128xf32, #tpu.memory_space<hbm>> -> memref<100001x128xf32, #tpu.memory_space<hbm>>
    tpu.wait_indirect_dma semaphore(%arg19 : memref<!tpu.dma_semaphore, #tpu.memory_space<semaphore_mem>>) src(%dma_wait3A_280 : memref<100001x128xf32, #tpu.memory_space<hbm>>) dst(%arg15 : memref<128x128xf32, #tpu.memory_space<vmem>>)
    %add3A_281 = arith.constant 384 : i32
    %add3A_282 = arith.addi %mul3A_2, %add3A_281 : i32
    %dma_start3A_283 = arith.constant 256 : i32
    %dma_start3A_284 = tpu.memref_slice %arg10[%add3A_282, %dma_start3A_283] : memref<16384x512xf32, #tpu.memory_space<hbm>> -> memref<128x128xf32, #tpu.memory_space<hbm>>
    %dma_start3A_285 = arith.constant 256 : i32
    %dma_start3A_286 = tpu.memref_slice %arg10[%add3A_282, %dma_start3A_285] : memref<16384x512xf32, #tpu.memory_space<hbm>> -> memref<128x128xf32, #tpu.memory_space<hbm>>
    tpu.enqueue_dma source(%arg15 : memref<128x128xf32, #tpu.memory_space<vmem>>) target(%dma_start3A_286 : memref<128x128xf32, #tpu.memory_space<hbm>>) target_semaphore(%arg23 : memref<!tpu.dma_semaphore, #tpu.memory_space<semaphore_mem>>)
    %dma_wait3A_287 = arith.constant 256 : i32
    %dma_wait3A_288 = tpu.memref_slice %arg10[%add3A_234, %dma_wait3A_287] : memref<16384x512xf32, #tpu.memory_space<hbm>> -> memref<128x128xf32, #tpu.memory_space<hbm>>
    %dma_wait3A_289 = arith.constant 256 : i32
    %dma_wait3A_290 = tpu.memref_slice %arg10[%add3A_234, %dma_wait3A_289] : memref<16384x512xf32, #tpu.memory_space<hbm>> -> memref<128x128xf32, #tpu.memory_space<hbm>>
    tpu.wait_dma2 semaphore(%arg21 : memref<!tpu.dma_semaphore, #tpu.memory_space<semaphore_mem>>) src(%arg13 : memref<128x128xf32, #tpu.memory_space<vmem>>) dst(%dma_wait3A_290 : memref<128x128xf32, #tpu.memory_space<hbm>>)
    %dma_start3A_291 = arith.constant 3 : i32
    %dma_start3A_292 = arith.constant 128 : i32
    %dma_start3A_293 = tpu.memref_slice %arg11[%dma_start3A_291, %dma_start3A_292] : memref<4x512xi32, #tpu.memory_space<vmem>> -> memref<1x128xi32, #tpu.memory_space<vmem>>
    %dma_start3A_294 = tpu.memref_squeeze %dma_start3A_293 : memref<1x128xi32, #tpu.memory_space<vmem>> -> memref<128xi32, #tpu.memory_space<vmem>>
    %dma_start3A_295 = arith.constant 0 : i32
    %dma_start3A_296 = arith.constant 0 : i32
    %dma_start3A_297 = tpu.memref_slice %arg9[%dma_start3A_295, %dma_start3A_296] : memref<100001x128xf32, #tpu.memory_space<hbm>> -> memref<100001x128xf32, #tpu.memory_space<hbm>>
    tpu.enqueue_indirect_dma source(%dma_start3A_297 : memref<100001x128xf32, #tpu.memory_space<hbm>>) target(%arg13 : memref<128x128xf32, #tpu.memory_space<vmem>>) offsets(%dma_start3A_294 : memref<128xi32, #tpu.memory_space<vmem>>) semaphore(%arg17 : memref<!tpu.dma_semaphore, #tpu.memory_space<semaphore_mem>>)
    %dma_wait3A_298 = arith.constant 3 : i32
    %dma_wait3A_299 = arith.constant 0 : i32
    %dma_wait3A_300 = tpu.memref_slice %arg11[%dma_wait3A_298, %dma_wait3A_299] : memref<4x512xi32, #tpu.memory_space<vmem>> -> memref<1x128xi32, #tpu.memory_space<vmem>>
    %dma_wait3A_301 = tpu.memref_squeeze %dma_wait3A_300 : memref<1x128xi32, #tpu.memory_space<vmem>> -> memref<128xi32, #tpu.memory_space<vmem>>
    %dma_wait3A_302 = arith.constant 0 : i32
    %dma_wait3A_303 = arith.constant 0 : i32
    %dma_wait3A_304 = tpu.memref_slice %arg9[%dma_wait3A_302, %dma_wait3A_303] : memref<100001x128xf32, #tpu.memory_space<hbm>> -> memref<100001x128xf32, #tpu.memory_space<hbm>>
    tpu.wait_indirect_dma semaphore(%arg16 : memref<!tpu.dma_semaphore, #tpu.memory_space<semaphore_mem>>) src(%dma_wait3A_304 : memref<100001x128xf32, #tpu.memory_space<hbm>>) dst(%arg12 : memref<128x128xf32, #tpu.memory_space<vmem>>)
    %add3A_305 = arith.constant 0 : i32
    %add3A_306 = arith.addi %mul3A_2, %add3A_305 : i32
    %dma_start3A_307 = arith.constant 384 : i32
    %dma_start3A_308 = tpu.memref_slice %arg10[%add3A_306, %dma_start3A_307] : memref<16384x512xf32, #tpu.memory_space<hbm>> -> memref<128x128xf32, #tpu.memory_space<hbm>>
    %dma_start3A_309 = arith.constant 384 : i32
    %dma_start3A_310 = tpu.memref_slice %arg10[%add3A_306, %dma_start3A_309] : memref<16384x512xf32, #tpu.memory_space<hbm>> -> memref<128x128xf32, #tpu.memory_space<hbm>>
    tpu.enqueue_dma source(%arg12 : memref<128x128xf32, #tpu.memory_space<vmem>>) target(%dma_start3A_310 : memref<128x128xf32, #tpu.memory_space<hbm>>) target_semaphore(%arg20 : memref<!tpu.dma_semaphore, #tpu.memory_space<semaphore_mem>>)
    %dma_wait3A_311 = arith.constant 256 : i32
    %dma_wait3A_312 = tpu.memref_slice %arg10[%add3A_258, %dma_wait3A_311] : memref<16384x512xf32, #tpu.memory_space<hbm>> -> memref<128x128xf32, #tpu.memory_space<hbm>>
    %dma_wait3A_313 = arith.constant 256 : i32
    %dma_wait3A_314 = tpu.memref_slice %arg10[%add3A_258, %dma_wait3A_313] : memref<16384x512xf32, #tpu.memory_space<hbm>> -> memref<128x128xf32, #tpu.memory_space<hbm>>
    tpu.wait_dma2 semaphore(%arg22 : memref<!tpu.dma_semaphore, #tpu.memory_space<semaphore_mem>>) src(%arg14 : memref<128x128xf32, #tpu.memory_space<vmem>>) dst(%dma_wait3A_314 : memref<128x128xf32, #tpu.memory_space<hbm>>)
    %dma_start3A_315 = arith.constant 3 : i32
    %dma_start3A_316 = arith.constant 256 : i32
    %dma_start3A_317 = tpu.memref_slice %arg11[%dma_start3A_315, %dma_start3A_316] : memref<4x512xi32, #tpu.memory_space<vmem>> -> memref<1x128xi32, #tpu.memory_space<vmem>>
    %dma_start3A_318 = tpu.memref_squeeze %dma_start3A_317 : memref<1x128xi32, #tpu.memory_space<vmem>> -> memref<128xi32, #tpu.memory_space<vmem>>
    %dma_start3A_319 = arith.constant 0 : i32
    %dma_start3A_320 = arith.constant 0 : i32
    %dma_start3A_321 = tpu.memref_slice %arg9[%dma_start3A_319, %dma_start3A_320] : memref<100001x128xf32, #tpu.memory_space<hbm>> -> memref<100001x128xf32, #tpu.memory_space<hbm>>
    tpu.enqueue_indirect_dma source(%dma_start3A_321 : memref<100001x128xf32, #tpu.memory_space<hbm>>) target(%arg14 : memref<128x128xf32, #tpu.memory_space<vmem>>) offsets(%dma_start3A_318 : memref<128xi32, #tpu.memory_space<vmem>>) semaphore(%arg18 : memref<!tpu.dma_semaphore, #tpu.memory_space<semaphore_mem>>)
    %dma_wait3A_322 = arith.constant 3 : i32
    %dma_wait3A_323 = arith.constant 128 : i32
    %dma_wait3A_324 = tpu.memref_slice %arg11[%dma_wait3A_322, %dma_wait3A_323] : memref<4x512xi32, #tpu.memory_space<vmem>> -> memref<1x128xi32, #tpu.memory_space<vmem>>
    %dma_wait3A_325 = tpu.memref_squeeze %dma_wait3A_324 : memref<1x128xi32, #tpu.memory_space<vmem>> -> memref<128xi32, #tpu.memory_space<vmem>>
    %dma_wait3A_326 = arith.constant 0 : i32
    %dma_wait3A_327 = arith.constant 0 : i32
    %dma_wait3A_328 = tpu.memref_slice %arg9[%dma_wait3A_326, %dma_wait3A_327] : memref<100001x128xf32, #tpu.memory_space<hbm>> -> memref<100001x128xf32, #tpu.memory_space<hbm>>
    tpu.wait_indirect_dma semaphore(%arg17 : memref<!tpu.dma_semaphore, #tpu.memory_space<semaphore_mem>>) src(%dma_wait3A_328 : memref<100001x128xf32, #tpu.memory_space<hbm>>) dst(%arg13 : memref<128x128xf32, #tpu.memory_space<vmem>>)
    %add3A_329 = arith.constant 128 : i32
    %add3A_330 = arith.addi %mul3A_2, %add3A_329 : i32
    %dma_start3A_331 = arith.constant 384 : i32
    %dma_start3A_332 = tpu.memref_slice %arg10[%add3A_330, %dma_start3A_331] : memref<16384x512xf32, #tpu.memory_space<hbm>> -> memref<128x128xf32, #tpu.memory_space<hbm>>
    %dma_start3A_333 = arith.constant 384 : i32
    %dma_start3A_334 = tpu.memref_slice %arg10[%add3A_330, %dma_start3A_333] : memref<16384x512xf32, #tpu.memory_space<hbm>> -> memref<128x128xf32, #tpu.memory_space<hbm>>
    tpu.enqueue_dma source(%arg13 : memref<128x128xf32, #tpu.memory_space<vmem>>) target(%dma_start3A_334 : memref<128x128xf32, #tpu.memory_space<hbm>>) target_semaphore(%arg21 : memref<!tpu.dma_semaphore, #tpu.memory_space<semaphore_mem>>)
    %dma_wait3A_335 = arith.constant 256 : i32
    %dma_wait3A_336 = tpu.memref_slice %arg10[%add3A_282, %dma_wait3A_335] : memref<16384x512xf32, #tpu.memory_space<hbm>> -> memref<128x128xf32, #tpu.memory_space<hbm>>
    %dma_wait3A_337 = arith.constant 256 : i32
    %dma_wait3A_338 = tpu.memref_slice %arg10[%add3A_282, %dma_wait3A_337] : memref<16384x512xf32, #tpu.memory_space<hbm>> -> memref<128x128xf32, #tpu.memory_space<hbm>>
    tpu.wait_dma2 semaphore(%arg23 : memref<!tpu.dma_semaphore, #tpu.memory_space<semaphore_mem>>) src(%arg15 : memref<128x128xf32, #tpu.memory_space<vmem>>) dst(%dma_wait3A_338 : memref<128x128xf32, #tpu.memory_space<hbm>>)
    %dma_start3A_339 = arith.constant 3 : i32
    %dma_start3A_340 = arith.constant 384 : i32
    %dma_start3A_341 = tpu.memref_slice %arg11[%dma_start3A_339, %dma_start3A_340] : memref<4x512xi32, #tpu.memory_space<vmem>> -> memref<1x128xi32, #tpu.memory_space<vmem>>
    %dma_start3A_342 = tpu.memref_squeeze %dma_start3A_341 : memref<1x128xi32, #tpu.memory_space<vmem>> -> memref<128xi32, #tpu.memory_space<vmem>>
    %dma_start3A_343 = arith.constant 0 : i32
    %dma_start3A_344 = arith.constant 0 : i32
    %dma_start3A_345 = tpu.memref_slice %arg9[%dma_start3A_343, %dma_start3A_344] : memref<100001x128xf32, #tpu.memory_space<hbm>> -> memref<100001x128xf32, #tpu.memory_space<hbm>>
    tpu.enqueue_indirect_dma source(%dma_start3A_345 : memref<100001x128xf32, #tpu.memory_space<hbm>>) target(%arg15 : memref<128x128xf32, #tpu.memory_space<vmem>>) offsets(%dma_start3A_342 : memref<128xi32, #tpu.memory_space<vmem>>) semaphore(%arg19 : memref<!tpu.dma_semaphore, #tpu.memory_space<semaphore_mem>>)
    %dma_wait3A_346 = arith.constant 3 : i32
    %dma_wait3A_347 = arith.constant 256 : i32
    %dma_wait3A_348 = tpu.memref_slice %arg11[%dma_wait3A_346, %dma_wait3A_347] : memref<4x512xi32, #tpu.memory_space<vmem>> -> memref<1x128xi32, #tpu.memory_space<vmem>>
    %dma_wait3A_349 = tpu.memref_squeeze %dma_wait3A_348 : memref<1x128xi32, #tpu.memory_space<vmem>> -> memref<128xi32, #tpu.memory_space<vmem>>
    %dma_wait3A_350 = arith.constant 0 : i32
    %dma_wait3A_351 = arith.constant 0 : i32
    %dma_wait3A_352 = tpu.memref_slice %arg9[%dma_wait3A_350, %dma_wait3A_351] : memref<100001x128xf32, #tpu.memory_space<hbm>> -> memref<100001x128xf32, #tpu.memory_space<hbm>>
    tpu.wait_indirect_dma semaphore(%arg18 : memref<!tpu.dma_semaphore, #tpu.memory_space<semaphore_mem>>) src(%dma_wait3A_352 : memref<100001x128xf32, #tpu.memory_space<hbm>>) dst(%arg14 : memref<128x128xf32, #tpu.memory_space<vmem>>)
    %add3A_353 = arith.constant 256 : i32
    %add3A_354 = arith.addi %mul3A_2, %add3A_353 : i32
    %dma_start3A_355 = arith.constant 384 : i32
    %dma_start3A_356 = tpu.memref_slice %arg10[%add3A_354, %dma_start3A_355] : memref<16384x512xf32, #tpu.memory_space<hbm>> -> memref<128x128xf32, #tpu.memory_space<hbm>>
    %dma_start3A_357 = arith.constant 384 : i32
    %dma_start3A_358 = tpu.memref_slice %arg10[%add3A_354, %dma_start3A_357] : memref<16384x512xf32, #tpu.memory_space<hbm>> -> memref<128x128xf32, #tpu.memory_space<hbm>>
    tpu.enqueue_dma source(%arg14 : memref<128x128xf32, #tpu.memory_space<vmem>>) target(%dma_start3A_358 : memref<128x128xf32, #tpu.memory_space<hbm>>) target_semaphore(%arg22 : memref<!tpu.dma_semaphore, #tpu.memory_space<semaphore_mem>>)
    %dma_wait3A_359 = arith.constant 3 : i32
    %dma_wait3A_360 = arith.constant 384 : i32
    %dma_wait3A_361 = tpu.memref_slice %arg11[%dma_wait3A_359, %dma_wait3A_360] : memref<4x512xi32, #tpu.memory_space<vmem>> -> memref<1x128xi32, #tpu.memory_space<vmem>>
    %dma_wait3A_362 = tpu.memref_squeeze %dma_wait3A_361 : memref<1x128xi32, #tpu.memory_space<vmem>> -> memref<128xi32, #tpu.memory_space<vmem>>
    %dma_wait3A_363 = arith.constant 0 : i32
    %dma_wait3A_364 = arith.constant 0 : i32
    %dma_wait3A_365 = tpu.memref_slice %arg9[%dma_wait3A_363, %dma_wait3A_364] : memref<100001x128xf32, #tpu.memory_space<hbm>> -> memref<100001x128xf32, #tpu.memory_space<hbm>>
    tpu.wait_indirect_dma semaphore(%arg19 : memref<!tpu.dma_semaphore, #tpu.memory_space<semaphore_mem>>) src(%dma_wait3A_365 : memref<100001x128xf32, #tpu.memory_space<hbm>>) dst(%arg15 : memref<128x128xf32, #tpu.memory_space<vmem>>)
    %add3A_366 = arith.constant 384 : i32
    %add3A_367 = arith.addi %mul3A_2, %add3A_366 : i32
    %dma_start3A_368 = arith.constant 384 : i32
    %dma_start3A_369 = tpu.memref_slice %arg10[%add3A_367, %dma_start3A_368] : memref<16384x512xf32, #tpu.memory_space<hbm>> -> memref<128x128xf32, #tpu.memory_space<hbm>>
    %dma_start3A_370 = arith.constant 384 : i32
    %dma_start3A_371 = tpu.memref_slice %arg10[%add3A_367, %dma_start3A_370] : memref<16384x512xf32, #tpu.memory_space<hbm>> -> memref<128x128xf32, #tpu.memory_space<hbm>>
    tpu.enqueue_dma source(%arg15 : memref<128x128xf32, #tpu.memory_space<vmem>>) target(%dma_start3A_371 : memref<128x128xf32, #tpu.memory_space<hbm>>) target_semaphore(%arg23 : memref<!tpu.dma_semaphore, #tpu.memory_space<semaphore_mem>>)
    %dma_wait3A_372 = arith.constant 384 : i32
    %dma_wait3A_373 = tpu.memref_slice %arg10[%add3A_306, %dma_wait3A_372] : memref<16384x512xf32, #tpu.memory_space<hbm>> -> memref<128x128xf32, #tpu.memory_space<hbm>>
    %dma_wait3A_374 = arith.constant 384 : i32
    %dma_wait3A_375 = tpu.memref_slice %arg10[%add3A_306, %dma_wait3A_374] : memref<16384x512xf32, #tpu.memory_space<hbm>> -> memref<128x128xf32, #tpu.memory_space<hbm>>
    tpu.wait_dma2 semaphore(%arg20 : memref<!tpu.dma_semaphore, #tpu.memory_space<semaphore_mem>>) src(%arg12 : memref<128x128xf32, #tpu.memory_space<vmem>>) dst(%dma_wait3A_375 : memref<128x128xf32, #tpu.memory_space<hbm>>)
    %dma_wait3A_376 = arith.constant 384 : i32
    %dma_wait3A_377 = tpu.memref_slice %arg10[%add3A_330, %dma_wait3A_376] : memref<16384x512xf32, #tpu.memory_space<hbm>> -> memref<128x128xf32, #tpu.memory_space<hbm>>
    %dma_wait3A_378 = arith.constant 384 : i32
    %dma_wait3A_379 = tpu.memref_slice %arg10[%add3A_330, %dma_wait3A_378] : memref<16384x512xf32, #tpu.memory_space<hbm>> -> memref<128x128xf32, #tpu.memory_space<hbm>>
    tpu.wait_dma2 semaphore(%arg21 : memref<!tpu.dma_semaphore, #tpu.memory_space<semaphore_mem>>) src(%arg13 : memref<128x128xf32, #tpu.memory_space<vmem>>) dst(%dma_wait3A_379 : memref<128x128xf32, #tpu.memory_space<hbm>>)
    %dma_wait3A_380 = arith.constant 384 : i32
    %dma_wait3A_381 = tpu.memref_slice %arg10[%add3A_354, %dma_wait3A_380] : memref<16384x512xf32, #tpu.memory_space<hbm>> -> memref<128x128xf32, #tpu.memory_space<hbm>>
    %dma_wait3A_382 = arith.constant 384 : i32
    %dma_wait3A_383 = tpu.memref_slice %arg10[%add3A_354, %dma_wait3A_382] : memref<16384x512xf32, #tpu.memory_space<hbm>> -> memref<128x128xf32, #tpu.memory_space<hbm>>
    tpu.wait_dma2 semaphore(%arg22 : memref<!tpu.dma_semaphore, #tpu.memory_space<semaphore_mem>>) src(%arg14 : memref<128x128xf32, #tpu.memory_space<vmem>>) dst(%dma_wait3A_383 : memref<128x128xf32, #tpu.memory_space<hbm>>)
    %dma_wait3A_384 = arith.constant 384 : i32
    %dma_wait3A_385 = tpu.memref_slice %arg10[%add3A_367, %dma_wait3A_384] : memref<16384x512xf32, #tpu.memory_space<hbm>> -> memref<128x128xf32, #tpu.memory_space<hbm>>
    %dma_wait3A_386 = arith.constant 384 : i32
    %dma_wait3A_387 = tpu.memref_slice %arg10[%add3A_367, %dma_wait3A_386] : memref<16384x512xf32, #tpu.memory_space<hbm>> -> memref<128x128xf32, #tpu.memory_space<hbm>>
    tpu.wait_dma2 semaphore(%arg23 : memref<!tpu.dma_semaphore, #tpu.memory_space<semaphore_mem>>) src(%arg15 : memref<128x128xf32, #tpu.memory_space<vmem>>) dst(%dma_wait3A_387 : memref<128x128xf32, #tpu.memory_space<hbm>>)
    return
  }
}

</mosaic_0001>

<sc_bundles>
// kernel: kernel.3.cloned.1.call-start
scs
__scs_entry_jumppad:
0x0: {  	(pc) =	sbr.rel $0x88, $3  }
0x1: {  	(tag) =	ssettag $0x0;
	lr =	simm.s32 $0x1  }
0x2: {  	[smem:$0x3F99] =	sst lr;
	_ =	strace $0xD0000000  }
0x3: {  	_ = 	snop  }
0x4: {  	_ = 	snop  }
0x5: {  	_ = 	snop  }
0x6: {  	_ = 	snop  }
0x7: {  	_ = 	snop  }
__scs_overlays_trampoline_lowered:
0x8: {  	[smem:$0x3FA8] =	sst s0  }
0x9: {  	[smem:$0x3FA9] =	sst s1  }
0xa: {  	[smem:$0x3FAA] =	sst s2  }
0xb: {  	[smem:$0x3FAB] =	sst s3  }
0xc: {  	[smem:$0x3FAC] =	sst s4  }
0xd: {  	[smem:$0x3FAD] =	sst s5  }
0xe: {  	[smem:$0x3FAE] =	sst s6  }
0xf: {  	[smem:$0x3FAF] =	sst s7  }
0x10: {  	[smem:$0x3FB0] =	sst s8  }
0x11: {  	[smem:$0x3FB1] =	sst s9;
	s0 =	simm.s32 @!p0 $0x0  }
0x12: {  	s1 =	sld [smem:$0x3F97];
	s0 =	simm.s32 @p0 $0x1  }
0x13: {  	[smem:$0x3FB2] =	sst s0;
	s0 =	simm.s32 @!p1 $0x0  }
0x14: {  	s2 =	sld [smem:$0x3F96];
	s0 =	simm.s32 @p1 $0x1  }
0x15: {  	[smem:$0x3FB3] =	sst s0;
	s0 =	simm.s32 @!p2 $0x0  }
0x16: {  	s3 =	sld [smem:$0x3FDB];
	s0 =	simm.s32 @p2 $0x1  }
0x17: {  	s4 =	simm.s32 $0x1BF5;
	[smem:$0x3FB5] =	sst s0  }
0x18: {  	s0 =	sld [smem:$0x3F98];
	_ =	swait.ge [sflag:s4], $0x0  }
0x19: {  	s7 =	sld [smem:$0x3F99]  }
0x1a: {  	s8 =	sadd.s32 $0xFFFFE003, lr  }
0x1b: {  	s9 =	sadd.s32 $0xFFFFFEF7, lr;
	s5 =	simm.s32 $0xFFFFFFFF;
	p2 =	slt.u32 s8, $0xFFFFF086  }
0x1c: {  	p1 =	slt.u32 s9, $0xF7A;
	s5 =	simm.s32 @!p2 $0x0  }
0x1d: {  	s5 =	simm.s32 @p1 $0x1;
	p0 =	seq.s32 s7, s2  }
0x1e: {  	s7 =	smul.u32 @!p0 $0xF7A, s2;
	p2 =	seq.s32 @!p0 s5, $0x0  }
0x1f: {  	s9 =	smul.u32 $0xF7A, s1;
	s8 =	simm.s32 @!p0 $0x1BF5;
	p2 =	por !p2, p0  }
0x20: {  	[sflag:s8] =	ssyncset.s32 @!p0 $0xFFFFF086;
	s6 =	sadd.s32 @!p0 s3, s7;
	s7 =	simm.s32 @!p0 $0x108  }
0x21: {  	s3 =	sadd.s32 s3, s9;
	s6 =	sadd.s32 @!p0 $0x88, s6;
	s7 =	simm.s32 @p2 $0x1082  }
0x22: {  	[simem:s7], [sflag:s8] =	dma.local @!p0 [hbm:s6], $0xF7A  }
0x23: {  	s9 =	sor.u32 $0xD0000000, s2;
	s6 =	simm.s32 $0x108;
	_ =	swait.ge @!p0 [sflag:s8], $0x0  }
0x24: {  	s3 =	sadd.s32 $0x88, s3;
	s6 =	simm.s32 @!p1 $0x1082;
	[sflag:s4] =	ssyncset.s32 $0xFFFFF086  }
0x25: {  	[simem:s6], [sflag:s4] =	dma.local [hbm:s3], $0xF7A  }
0x26: {  	[smem:$0x3F99] =	sst s1;
	(tag) =	ssettag s2;
	_ =	strace s9  }
0x27: {  	s1 =	sld [smem:$0x3FA9]  }
0x28: {  	s2 =	sld [smem:$0x3FAA]  }
0x29: {  	s4 =	sld [smem:$0x3FAC]  }
0x2a: {  	p0 =	seq.s32 s5, $0x0;
	s5 =	sld [smem:$0x3FAD]  }
0x2b: {  	s6 =	sld [smem:$0x3FAE]  }
0x2c: {  	s7 =	sld [smem:$0x3FAF]  }
0x2d: {  	s3 =	simm.s32 $0x108;
	s8 =	sld [smem:$0x3FB0]  }
0x2e: {  	s3 =	simm.s32 @!p0 $0x1082;
	s9 =	sld [smem:$0x3FB1]  }
0x2f: {  	lr =	sadd.s32 s0, s3;
	s0 =	sld [smem:$0x3FA8]  }
0x30: {  	s3 =	sld [smem:$0x3FAB]  }
0x31: {  	[smem:$0x3FB4] =	sst s10  }
0x32: {  	s10 =	sld [smem:$0x3FB2];
	_ =	sdelay $0x3  }
0x33: {  	p0 =	seq.s32 s10, $0x1;
	s10 =	sld [smem:$0x3FB4];
	_ =	sdelay $0x3  }
0x34: {  	[smem:$0x3FB4] =	sst s10  }
0x35: {  	s10 =	sld [smem:$0x3FB3];
	_ =	sdelay $0x3  }
0x36: {  	p1 =	seq.s32 s10, $0x1;
	s10 =	sld [smem:$0x3FB4];
	_ =	sdelay $0x3  }
0x37: {  	[smem:$0x3FB4] =	sst s10  }
0x38: {  	s10 =	sld [smem:$0x3FB5]  }
0x39: {  	_ = 	snop;
	(pc) =	sbr.ind lr, $3  }
0x3a: {  	_ = 	snop  }
0x3b: {  	_ = 	snop  }
0x3c: {  	p2 =	seq.s32 s10, $0x1;
	s10 =	sld [smem:$0x3FB4]  }
0x3d: {  	_ =	shalt  }
0x3e: {  	_ =	shalt  }
0x3f: {  	_ =	shalt  }
0x40: {  	_ =	shalt  }
0x41: {  	_ =	shalt  }
0x42: {  	_ =	shalt  }
0x43: {  	_ =	shalt  }
0x44: {  	_ =	shalt  }
0x45: {  	_ =	shalt  }
0x46: {  	_ =	shalt  }
0x47: {  	_ =	shalt  }
0x48: {  	_ =	shalt  }
0x49: {  	_ =	shalt  }
0x4a: {  	_ =	shalt  }
0x4b: {  	_ =	shalt  }
0x4c: {  	_ =	shalt  }
0x4d: {  	_ =	shalt  }
0x4e: {  	_ =	shalt  }
0x4f: {  	_ =	shalt  }
0x50: {  	_ =	shalt  }
0x51: {  	_ =	shalt  }
0x52: {  	_ =	shalt  }
0x53: {  	_ =	shalt  }
0x54: {  	_ =	shalt  }
0x55: {  	_ =	shalt  }
0x56: {  	_ =	shalt  }
0x57: {  	_ =	shalt  }
0x58: {  	_ =	shalt  }
0x59: {  	_ =	shalt  }
0x5a: {  	_ =	shalt  }
0x5b: {  	_ =	shalt  }
0x5c: {  	_ =	shalt  }
0x5d: {  	_ =	shalt  }
0x5e: {  	_ =	shalt  }
0x5f: {  	_ =	shalt  }
0x60: {  	_ =	shalt  }
0x61: {  	_ =	shalt  }
0x62: {  	_ =	shalt  }
0x63: {  	_ =	shalt  }
0x64: {  	_ =	shalt  }
0x65: {  	_ =	shalt  }
0x66: {  	_ =	shalt  }
0x67: {  	_ =	shalt  }
0x68: {  	_ =	shalt  }
0x69: {  	_ =	shalt  }
0x6a: {  	_ =	shalt  }
0x6b: {  	_ =	shalt  }
0x6c: {  	_ =	shalt  }
0x6d: {  	_ =	shalt  }
0x6e: {  	_ =	shalt  }
0x6f: {  	_ =	shalt  }
0x70: {  	_ =	shalt  }
0x71: {  	_ =	shalt  }
0x72: {  	_ =	shalt  }
0x73: {  	_ =	shalt  }
0x74: {  	_ =	shalt  }
0x75: {  	_ =	shalt  }
0x76: {  	_ =	shalt  }
0x77: {  	_ =	shalt  }
0x78: {  	_ =	shalt  }
0x79: {  	_ =	shalt  }
0x7a: {  	_ =	shalt  }
0x7b: {  	_ =	shalt  }
0x7c: {  	_ =	shalt  }
0x7d: {  	_ =	shalt  }
0x7e: {  	_ =	shalt  }
0x7f: {  	_ =	shalt  }
0x80: {  	_ =	shalt  }
0x81: {  	_ =	shalt  }
0x82: {  	_ =	shalt  }
0x83: {  	_ =	shalt  }
0x84: {  	_ =	shalt  }
0x85: {  	_ =	shalt  }
0x86: {  	_ =	shalt  }
0x87: {  	_ =	shalt  }
.Lfunc_end0:
.L_simem_size_0:
called_computation_lowered:
.L_overlay_start_0:
0x88: {  	s2 =	sld [smem:$0x3FD9]  }
0x89: {  	s3 =	sld [smem:$0x3FFE];
	_ =	sdelay $0x1  }
0x8a: {  	s1 =	srdreg.scid  }
0x8b: {  	s0 =	sand.u32 $0x1, s1  }
0x8c: {  	s17 =	sshll.u32 s0, $0xA;
	s2 =	sadd.s32 s3, s2  }
0x8d: {  	s2 =	sadd.s32 s2, s17  }
0x8e: {  	[smem:$0x3FC0] =	sst s2  }
0x8f: {  	_ = 	snop  }
0x90: {  	s2 =	sld [smem:$0x3FC9]  }
0x91: {  	s18 =	sld [smem:$0x3FC8]  }
0x92: {  	s4 =	sld [smem:$0x3FC7]  }
0x93: {  	s5 =	sld [smem:$0x3FC6]  }
0x94: {  	s6 =	sld [smem:$0x3FC5]  }
0x95: {  	s7 =	sld [smem:$0x3FC4]  }
0x96: {  	s8 =	sld [smem:$0x3FC3]  }
0x97: {  	s9 =	sld [smem:$0x3FC2];
	(tm) =	ssettm $0x1  }
0x98: {  	s10 =	sld [smem:$0x3FFB];
	_ =	sdelay $0x3  }
0x99: {  	_ =	strace s10  }
0x9a: {  	s10 =	sld [smem:$0x3FFC];
	_ =	sdelay $0x3  }
0x9b: {  	_ =	strace s10  }
0x9c: {  	s10 =	sld [smem:$0x3FFD];
	_ =	sdelay $0x3  }
0x9d: {  	_ =	strace s10  }
0x9e: {  	_ =	strace $0x8FFFFFFF  }
0x9f: {  	s19 =	sld [smem:$0x3FDB];
	_ =	sdelay $0x1  }
0xa0: {  	s11 =	simm.s32 $_scs_section_size  }
0xa1: {  	s12 =	simm.s32 $_size__tile_overlayer_lowered;
	s13 =	simm.s32 $_tile_overlayer_lowered  }
0xa2: {  	s22 =	simm.s32 $0x1BFF;
	s21 =	sshll.u32 s13, $0x1;
	s10 =	sadd.s32 s11, s19  }
0xa3: {  	s14 =	simm.s32 $0x0;
	s20 =	sshll.u32 s12, $0x1;
	s12 =	sadd.s32 s21, s10  }
0xa4: {  	[timem:s14], [sflag:s22] =	dma.local [hbm:s12], s20  }
0xa5: {  	_ =	swait.ge [sflag:s22], s20  }
0xa6: {  	s11 =	ssub.s32 $0x0, s20;
	[sflag:s22] =	ssyncset.done $0x0  }
0xa7: {  	[sflag:s22] =	ssyncadd.s32 s11;
	_ =	sdelay $0x1  }
0xa8: {  	s23 =	simm.s32 $0x1B8B  }
0xa9: {  	_ =	swait.ge [sflag:s23], $0x1  }
0xaa: {  	[sflag:s23] =	ssyncset.done $0x0  }
0xab: {  	s25 =	simm.s32 $0x1B8E;
	s24 =	sld [smem:$0x3FFE];
	[sflag:s23] =	ssyncadd.s32 $0xFFFFFFFF  }
0xac: {  	s26 =	simm.s32 $execute0_lowered;
	[smem:$0x3FD2] =	sst s25  }
0xad: {  	s12 =	sshll.u32 s26, $0x1;
	_ =	strace $0x80000046;
	[dreg:$0x1] =	wrdreg $0xFFFFFFFF  }
0xae: {  	s28 =	simm.s32 $_size_execute0_lowered;
	s10 =	sadd.s32 s10, s12;
	[dreg:$0x0] =	wrdreg $0x0  }
0xaf: {  	s12 =	sshll.u32 s28, $0x1;
	[dreg:$0x2] =	wrdreg s10  }
0xb0: {  	[dreg:$0x3] =	wrdreg s12  }
0xb1: {  	[dreg:$0x4] =	wrdreg $0xC0  }
0xb2: {  	_ =	task [dreg:s14], $0x5FFFF  }
0xb3: {  	[dreg:$0x1] =	wrdreg $0xFFFFFFFF  }
0xb4: {  	[dreg:$0x0] =	wrdreg $0x60  }
0xb5: {  	[dreg:$0x2] =	wrdreg s2  }
0xb6: {  	[dreg:$0x3] =	wrdreg s18  }
0xb7: {  	[dreg:$0x4] =	wrdreg s4  }
0xb8: {  	[dreg:$0x5] =	wrdreg s5  }
0xb9: {  	[dreg:$0x6] =	wrdreg s6  }
0xba: {  	[dreg:$0x7] =	wrdreg s7  }
0xbb: {  	[dreg:$0x8] =	wrdreg s8  }
0xbc: {  	[dreg:$0x9] =	wrdreg s9  }
0xbd: {  	[dreg:$0xa] =	wrdreg s24  }
0xbe: {  	[dreg:$0xb] =	wrdreg $0x9  }
0xbf: {  	_ =	task.clear_ibuf [dreg:s14], $0xCFFFF;
	_ =	strace $0x90000046  }
0xc0: {  	s29 =	simm.s32 $0x9;
	_ =	strace $0x80000048  }
0xc1: {  	_ =	swait.ge [sflag:s29], $0x1  }
0xc2: {  	[sflag:s29] =	ssyncadd.s32 $0xFFFFFFFF  }
0xc3: {  	_ =	strace $0x90000048  }
0xc4: {  	_ =	sfence  }
0xc5: {  	s30 =	sld [smem:$0x0];
	_ =	sdelay $0x2  }
0xc6: {  	s31 =	sshll.u32 s1, $0xD;
	s1 =	sshrl.u32 s1, $0x2  }
0xc7: {  	s3 =	sand.u32 $0x4000, s31;
	s1 =	sadd.s32 s1, s30  }
0xc8: {  	s0 =	sor.u32 s3, s0;
	s1 =	sshll.u32 s1, $0x11  }
0xc9: {  	s0 =	sor.u32 s1, s0  }
0xca: {  	s0 =	sadd.s32 $0x8F2B, s0  }
0xcb: {  	[sflag:s0] =	ssyncadd.remote.s32 $0x1  }
0xcc: {  	_ =	sfence.sel $0xFFFF  }
0xcd: {  	[dreg:$0x0] =	wrdreg $0xFFFFFFFF;
	(pc) =	sbr.abs _section_cstart, $3  }
0xce: {  	[dreg:$0x1] =	wrdreg $0xFFFFFFFF  }
0xcf: {  	_ =	task.clear_ibuf [dreg:s14], $0x2FFFF;
	_ =	strace $0x9FFFFFFF  }
0xd0: {  	(tm) =	ssettm $0x7FFFFFFF  }
0xd1: {  	_ =	shalt  }
tec
execute0_lowered:
.L_overlay_start_1:
0x0: {  	(tag) =	ssettag $0x1  }
0x1: {  	s0 =	rddreg [dreg:$0x0]  }
0x2: {  	s1 =	rddreg [dreg:$0x1]  }
0x3: {  	s4 =	rddreg [dreg:$0x2]  }
0x4: {  	s5 =	rddreg [dreg:$0x3]  }
0x5: {  	s12 =	rddreg [dreg:$0x4];
	s2 =	srdreg.scid  }
0x6: {  	s7 =	rddreg [dreg:$0x5];
	s8 =	stileid.u32;
	s6 =	sand.u32 $0x1, s2  }
0x7: {  	s3 =	rddreg [dreg:$0x6];
	s8 =	sshll.u32 s8, $0xA;
	s9 =	sshll.u32 s6, $0x9  }
0x8: {  	s10 =	rddreg [dreg:$0x8];
	s30 =	simm.s32 $0x0;
	s8 =	sor.u32 s9, s8  }
0x9: {  	s2 =	rddreg [dreg:$0x7];
	s9 =	sshll.u32 s8, $0x6;
	s8 =	sshrl.u32 s8, $0x3  }
0xa: {  	[smem:$0x7FF] =	sst s30;
	s1 =	sadd.s32 s1, s8  }
0xb: {  	_ =	strace $0x80000047;
	s11 =	sadd.s32 s10, s9;
	[dreg:$0x1f] =	wrdreg s1  }
0xc: {  	s9 =	sadd.s32 $0x2000, s11;
	[dreg:$0x1c] =	wrdreg s11  }
0xd: {  	s20 =	sadd.s32 $0x4000, s11;
	[dreg:$0xa] =	wrdreg s9  }
0xe: {  	s21 =	sadd.s32 $0x6000, s11;
	[dreg:$0xb] =	wrdreg s20  }
0xf: {  	s22 =	sadd.s32 $0x80, s11;
	[dreg:$0xc] =	wrdreg s21  }
0x10: {  	s23 =	sadd.s32 $0x2080, s11;
	[dreg:$0xd] =	wrdreg s22  }
0x11: {  	s31 =	simm.s32 $0x500;
	s24 =	sadd.s32 $0x4080, s11;
	[dreg:$0xe] =	wrdreg s23  }
0x12: {  	p0 =	por $0x0, $0x0;
	s25 =	sadd.s32 $0x6080, s11;
	[dreg:$0xf] =	wrdreg s24  }
0x13: {  	s29 =	simm.s32 $0x780;
	s26 =	sadd.s32 $0x100, s11;
	[dreg:$0x10] =	wrdreg s25  }
0x14: {  	s6 =	ssub.s32 $0x2, s6;
	s10 =	sadd.s32 $0x2100, s11;
	[dreg:$0x11] =	wrdreg s26  }
0x15: {  	s14 =	sshrl.u32 s6, $0x1;
	s13 =	sadd.s32 $0x4100, s11;
	[dreg:$0x12] =	wrdreg s10  }
0x16: {  	s6 =	ssub.s32 s6, s14;
	s15 =	sadd.s32 $0x6100, s11;
	[dreg:$0x13] =	wrdreg s13  }
0x17: {  	s14 =	simm.s32 $0x8800;
	s16 =	sadd.s32 $0x180, s11;
	[dreg:$0x14] =	wrdreg s15  }
0x18: {  	s28 =	sadd.s32 s0, s8;
	s17 =	sadd.s32 $0x2180, s11;
	[dreg:$0x15] =	wrdreg s16  }
0x19: {  	s18 =	sadd.s32 $0x4180, s11;
	s19 =	sadd.s32 $0x6180, s11;
	[dreg:$0x16] =	wrdreg s17  }
0x1a: {  	s11 =	simm.s32 $0x5;
	[dreg:$0x17] =	wrdreg s18;
	s20 =	sadd.s32 s4, s8  }
0x1b: {  	[dreg:$0x18] =	wrdreg s19;
	s21 =	sadd.s32 $0x10, s28;
	s22 =	sadd.s32 s5, s8  }
0x1c: {  	s23 =	sadd.s32 $0x20, s28;
	s24 =	smax.u32 s6, $0x1;
	s26 =	sadd.s32 $0x30, s28  }
0x1d: {  	s4 =	simm.s32 $0x400;
	s25 =	simm.s32 $0x9;
	s5 =	simm.s32 $0x80  }
0x1e: {  	s18 =	simm.s32 $0x280;
	s13 =	simm.s32 $0x680;
	s17 =	simm.s32 $0x4800  }
0x1f: {  	s9 =	simm.s32 $0x1000;
	s19 =	simm.s32 $0x2;
	[dreg:$0x1e] =	wrdreg s20  }
0x20: {  	s16 =	simm.s32 $0x3;
	[dreg:$0x1d] =	wrdreg s22;
	p1 =	sne.s32 s24, $0x1  }
.Ltmp0:
0x21: {  	s15 =	simm.s32 $0x4;
	[dreg:$0x19] =	wrdreg s21;
	(pc) =	sbr.rel @!p1 .LBB2_5-.Ltmp0, $4  }
0x22: {  	s10 =	simm.s32 $0x6;
	s8 =	simm.s32 $0x7;
	[dreg:$0x1a] =	wrdreg s23  }
0x23: {  	s6 =	simm.s32 $0x8;
	[dreg:$0x1b] =	wrdreg s26;
	s23 =	simm.s32 $0x700  }
0x24: {  	s21 =	simm.s32 $0x180;
	s0 =	sadd.s32 $0xFFFFFFFF, s24;
	s26 =	simm.s32 $0x380  }
0x25: {  	s20 =	simm.s32 $0x800;
	s22 =	simm.s32 $0x1;
	s24 =	simm.s32 $0xC800  }
0x26: {  	[smem:$0x7FD] =	sst s0  }
0x27: {  	s2 =	rddreg [dreg:$0x19]  }
0x28: {  	[tilespmem:s30], [sflag:$0x9] =	stream.linear.gather [hbm4b:s28+s30], $0x80, $0x38;
	[tilespmem:$0x10800] =	vst v63  }
0x29: {  	[smem:$0x7F3] =	sst s28;
	s28 =	simm.s32 $0x200  }
0x2a: {  	[tilespmem:s28], [sflag:$0x9] =	stream.linear.gather [hbm4b:s2+s30], $0x80, $0x38;
	[tilespmem:$0x10800] =	vst v63  }
0x2b: {  	s1 =	rddreg [dreg:$0x1a]  }
0x2c: {  	[tilespmem:s4], [sflag:$0x9] =	stream.linear.gather [hbm4b:s1+s30], $0x80, $0x38;
	[tilespmem:$0x10800] =	vst v63  }
0x2d: {  	s0 =	rddreg [dreg:$0x1b];
	s2 =	simm.s32 $0x600  }
0x2e: {  	[tilespmem:s2], [sflag:$0x9] =	stream.linear.gather [hbm4b:s0+s30], $0x80, $0x38;
	[tilespmem:$0x10800] =	vst v63  }
0x2f: {  	_ =	swait.ge [sflag:s25], $0x200  }
0x30: {  	[sflag:s25] =	ssyncset.done $0x0  }
0x31: {  	s0 =	rddreg [dreg:$0x1f];
	[sflag:s25] =	ssyncadd.s32 $0xFFFFFE00  }
0x32: {  	[tilespmem:s5], [sflag:$0x9] =	stream.linear.gather [hbm4b:s0+s30], $0x80, $0x38;
	[tilespmem:$0x10800] =	vst v63  }
0x33: {  	s2 =	sadd.s32 $0x10, s0  }
0x34: {  	[tilespmem:s18], [sflag:$0x9] =	stream.linear.gather [hbm4b:s2+s30], $0x80, $0x38;
	[tilespmem:$0x10800] =	vst v63  }
0x35: {  	[smem:$0x7F4] =	sst s2;
	s18 =	sadd.s32 $0x20, s0  }
0x36: {  	s2 =	simm.s32 $0x480;
	s0 =	sadd.s32 $0x30, s0;
	[smem:$0x7F5] =	sst s18  }
0x37: {  	[tilespmem:s2], [sflag:$0x9] =	stream.linear.gather [hbm4b:s18+s30], $0x80, $0x38;
	[tilespmem:$0x10800] =	vst v63  }
0x38: {  	[smem:$0x7F6] =	sst s0  }
0x39: {  	[tilespmem:s13], [sflag:$0x9] =	stream.linear.gather [hbm4b:s0+s30], $0x80, $0x38;
	[tilespmem:$0x10800] =	vst v63  }
0x3a: {  	_ =	swait.ge [sflag:s25], $0x200  }
0x3b: {  	[sflag:s25] =	ssyncset.done $0x0  }
0x3c: {  	s18 =	simm.s32 $0x100;
	s13 =	rddreg [dreg:$0x1e];
	[sflag:s25] =	ssyncadd.s32 $0xFFFFFE00  }
0x3d: {  	[tilespmem:s18], [sflag:$0x9] =	stream.linear.gather [hbm4b:s13+s30], $0x80, $0x38;
	[tilespmem:$0x10800] =	vst v63  }
0x3e: {  	s1 =	sadd.s32 $0x10, s13;
	s18 =	simm.s32 $0x300  }
0x3f: {  	[tilespmem:s18], [sflag:$0x9] =	stream.linear.gather [hbm4b:s1+s30], $0x80, $0x38;
	[tilespmem:$0x10800] =	vst v63  }
0x40: {  	[smem:$0x7F7] =	sst s1;
	s1 =	sadd.s32 $0x20, s13  }
0x41: {  	s18 =	sadd.s32 $0x30, s13;
	[smem:$0x7F8] =	sst s1  }
0x42: {  	[tilespmem:s31], [sflag:$0x9] =	stream.linear.gather [hbm4b:s1+s30], $0x80, $0x38;
	[tilespmem:$0x10800] =	vst v63  }
0x43: {  	[smem:$0x7F9] =	sst s18  }
0x44: {  	[tilespmem:s23], [sflag:$0x9] =	stream.linear.gather [hbm4b:s18+s30], $0x80, $0x38;
	[tilespmem:$0x10800] =	vst v63  }
0x45: {  	_ =	swait.ge [sflag:s25], $0x200  }
0x46: {  	[sflag:s25] =	ssyncset.done $0x0  }
0x47: {  	s13 =	rddreg [dreg:$0x1d];
	[sflag:s25] =	ssyncadd.s32 $0xFFFFFE00  }
0x48: {  	[tilespmem:s21], [sflag:$0x9] =	stream.linear.gather [hbm4b:s13+s30], $0x80, $0x38;
	[tilespmem:$0x10800] =	vst v63  }
0x49: {  	s18 =	simm.s32 $0x580;
	s23 =	sadd.s32 $0x10, s13  }
0x4a: {  	[tilespmem:s26], [sflag:$0x9] =	stream.linear.gather [hbm4b:s23+s30], $0x80, $0x38;
	[tilespmem:$0x10800] =	vst v63  }
0x4b: {  	[smem:$0x7FA] =	sst s23;
	s23 =	smov.u32 s12;
	s12 =	sadd.s32 $0x20, s13  }
0x4c: {  	[tilespmem:s18], [sflag:$0x9] =	stream.linear.gather [hbm4b:s12+s30], $0x80, $0x38;
	[tilespmem:$0x10800] =	vst v63  }
0x4d: {  	[smem:$0x7FB] =	sst s12;
	s18 =	sadd.s32 $0x30, s13  }
0x4e: {  	[smem:$0x7FC] =	sst s18  }
0x4f: {  	[tilespmem:s29], [sflag:$0x9] =	stream.linear.gather [hbm4b:s18+s30], $0x80, $0x38;
	[tilespmem:$0x10800] =	vst v63  }
0x50: {  	_ =	swait.ge [sflag:s25], $0x200  }
0x51: {  	[sflag:s25] =	ssyncset.done $0x0  }
0x52: {  	[sflag:s25] =	ssyncadd.s32 $0xFFFFFE00  }
0x53: {  	[tilespmem:s20], [sflag:$0x1] =	stream.indirect.gather [hbm4b:s23+s5], $0x80, s30, s5, $0xb8;
	[tilespmem:$0x10800] =	vst v63  }
0x54: {  	_ = 	snop  }
0x55: {  	[tilespmem:s17], [sflag:$0x2] =	stream.indirect.gather [hbm4b:s23+s5], $0x80, s28, s5, $0xb8;
	[tilespmem:$0x10800] =	vst v63  }
0x56: {  	_ =	swait.ge [sflag:s22], $0x4000  }
0x57: {  	[sflag:s22] =	ssyncset.done $0x0  }
0x58: {  	s28 =	rddreg [dreg:$0x1c];
	[sflag:s22] =	ssyncadd.s32 $0xFFFFC000  }
0x59: {  	[hbm4b:s28+s4] =	stream.strided.scatter [tilespmem:s20], [sflag:$0x5], $0x4000, s9, s4, $0x38;
	[tilespmem:$0x10800] =	vst v63  }
0x5a: {  	_ = 	snop  }
0x5b: {  	[tilespmem:s14], [sflag:$0x3] =	stream.indirect.gather [hbm4b:s23+s5], $0x80, s4, s5, $0xb8;
	[tilespmem:$0x10800] =	vst v63  }
0x5c: {  	_ =	swait.ge [sflag:s19], $0x4000  }
0x5d: {  	[sflag:s19] =	ssyncset.done $0x0  }
0x5e: {  	s31 =	rddreg [dreg:$0xa];
	[sflag:s19] =	ssyncadd.s32 $0xFFFFC000  }
0x5f: {  	[hbm4b:s31+s4] =	stream.strided.scatter [tilespmem:s17], [sflag:$0x6], $0x4000, s9, s4, $0x38;
	[tilespmem:$0x10800] =	vst v63  }
0x60: {  	s28 =	simm.s32 $0x600  }
0x61: {  	[tilespmem:s24], [sflag:$0x4] =	stream.indirect.gather [hbm4b:s23+s5], $0x80, s28, s5, $0xb8;
	[tilespmem:$0x10800] =	vst v63  }
0x62: {  	_ =	swait.ge [sflag:s16], $0x4000  }
0x63: {  	[sflag:s16] =	ssyncset.done $0x0  }
0x64: {  	s31 =	rddreg [dreg:$0xb];
	[sflag:s16] =	ssyncadd.s32 $0xFFFFC000  }
0x65: {  	[hbm4b:s31+s4] =	stream.strided.scatter [tilespmem:s14], [sflag:$0x7], $0x4000, s9, s4, $0x38;
	[tilespmem:$0x10800] =	vst v63  }
0x66: {  	_ =	swait.ge [sflag:s11], $0x4000  }
0x67: {  	[sflag:s11] =	ssyncset.done $0x0  }
0x68: {  	[sflag:s11] =	ssyncadd.s32 $0xFFFFC000  }
0x69: {  	[tilespmem:s20], [sflag:$0x1] =	stream.indirect.gather [hbm4b:s7+s5], $0x80, s5, s5, $0xb8;
	[tilespmem:$0x10800] =	vst v63  }
0x6a: {  	_ =	swait.ge [sflag:s15], $0x4000  }
0x6b: {  	[sflag:s15] =	ssyncset.done $0x0  }
0x6c: {  	s31 =	rddreg [dreg:$0xc];
	[sflag:s15] =	ssyncadd.s32 $0xFFFFC000  }
0x6d: {  	[hbm4b:s31+s4] =	stream.strided.scatter [tilespmem:s24], [sflag:$0x8], $0x4000, s9, s4, $0x38;
	[tilespmem:$0x10800] =	vst v63  }
0x6e: {  	_ =	swait.ge [sflag:s10], $0x4000  }
0x6f: {  	[sflag:s10] =	ssyncset.done $0x0  }
0x70: {  	s1 =	simm.s32 $0x280;
	[sflag:s10] =	ssyncadd.s32 $0xFFFFC000  }
0x71: {  	[tilespmem:s17], [sflag:$0x2] =	stream.indirect.gather [hbm4b:s7+s5], $0x80, s1, s5, $0xb8;
	[tilespmem:$0x10800] =	vst v63  }
0x72: {  	_ =	swait.ge [sflag:s22], $0x4000  }
0x73: {  	[sflag:s22] =	ssyncset.done $0x0  }
0x74: {  	s31 =	rddreg [dreg:$0xd];
	[sflag:s22] =	ssyncadd.s32 $0xFFFFC000  }
0x75: {  	[hbm4b:s31+s4] =	stream.strided.scatter [tilespmem:s20], [sflag:$0x5], $0x4000, s9, s4, $0x38;
	[tilespmem:$0x10800] =	vst v63  }
0x76: {  	_ =	swait.ge [sflag:s8], $0x4000  }
0x77: {  	[sflag:s8] =	ssyncset.done $0x0  }
0x78: {  	s2 =	simm.s32 $0x480;
	[sflag:s8] =	ssyncadd.s32 $0xFFFFC000  }
0x79: {  	[tilespmem:s14], [sflag:$0x3] =	stream.indirect.gather [hbm4b:s7+s5], $0x80, s2, s5, $0xb8;
	[tilespmem:$0x10800] =	vst v63  }
0x7a: {  	_ =	swait.ge [sflag:s19], $0x4000  }
0x7b: {  	[sflag:s19] =	ssyncset.done $0x0  }
0x7c: {  	s31 =	rddreg [dreg:$0xe];
	[sflag:s19] =	ssyncadd.s32 $0xFFFFC000  }
0x7d: {  	[hbm4b:s31+s4] =	stream.strided.scatter [tilespmem:s17], [sflag:$0x6], $0x4000, s9, s4, $0x38;
	[tilespmem:$0x10800] =	vst v63  }
0x7e: {  	_ =	swait.ge [sflag:s6], $0x4000  }
0x7f: {  	[sflag:s6] =	ssyncset.done $0x0  }
0x80: {  	s21 =	simm.s32 $0x680;
	[sflag:s6] =	ssyncadd.s32 $0xFFFFC000  }
0x81: {  	[tilespmem:s24], [sflag:$0x4] =	stream.indirect.gather [hbm4b:s7+s5], $0x80, s21, s5, $0xb8;
	[tilespmem:$0x10800] =	vst v63  }
0x82: {  	_ =	swait.ge [sflag:s16], $0x4000  }
0x83: {  	[sflag:s16] =	ssyncset.done $0x0  }
0x84: {  	s31 =	rddreg [dreg:$0xf];
	[sflag:s16] =	ssyncadd.s32 $0xFFFFC000  }
0x85: {  	[hbm4b:s31+s4] =	stream.strided.scatter [tilespmem:s14], [sflag:$0x7], $0x4000, s9, s4, $0x38;
	[tilespmem:$0x10800] =	vst v63  }
0x86: {  	_ =	swait.ge [sflag:s11], $0x4000  }
0x87: {  	[sflag:s11] =	ssyncset.done $0x0  }
0x88: {  	s2 =	simm.s32 $0x100;
	[sflag:s11] =	ssyncadd.s32 $0xFFFFC000  }
0x89: {  	[tilespmem:s20], [sflag:$0x1] =	stream.indirect.gather [hbm4b:s3+s5], $0x80, s2, s5, $0xb8;
	[tilespmem:$0x10800] =	vst v63  }
0x8a: {  	_ =	swait.ge [sflag:s15], $0x4000  }
0x8b: {  	[sflag:s15] =	ssyncset.done $0x0  }
0x8c: {  	s31 =	rddreg [dreg:$0x10];
	[sflag:s15] =	ssyncadd.s32 $0xFFFFC000  }
0x8d: {  	[hbm4b:s31+s4] =	stream.strided.scatter [tilespmem:s24], [sflag:$0x8], $0x4000, s9, s4, $0x38;
	[tilespmem:$0x10800] =	vst v63  }
0x8e: {  	_ =	swait.ge [sflag:s10], $0x4000  }
0x8f: {  	[sflag:s10] =	ssyncset.done $0x0  }
0x90: {  	s7 =	simm.s32 $0x300;
	[sflag:s10] =	ssyncadd.s32 $0xFFFFC000  }
0x91: {  	[tilespmem:s17], [sflag:$0x2] =	stream.indirect.gather [hbm4b:s3+s5], $0x80, s7, s5, $0xb8;
	[tilespmem:$0x10800] =	vst v63  }
0x92: {  	_ =	swait.ge [sflag:s22], $0x4000  }
0x93: {  	[sflag:s22] =	ssyncset.done $0x0  }
0x94: {  	s31 =	rddreg [dreg:$0x11];
	[sflag:s22] =	ssyncadd.s32 $0xFFFFC000  }
0x95: {  	[hbm4b:s31+s4] =	stream.strided.scatter [tilespmem:s20], [sflag:$0x5], $0x4000, s9, s4, $0x38;
	[tilespmem:$0x10800] =	vst v63  }
0x96: {  	_ =	swait.ge [sflag:s8], $0x4000  }
0x97: {  	[sflag:s8] =	ssyncset.done $0x0  }
0x98: {  	s18 =	simm.s32 $0x500;
	[sflag:s8] =	ssyncadd.s32 $0xFFFFC000  }
0x99: {  	[tilespmem:s14], [sflag:$0x3] =	stream.indirect.gather [hbm4b:s3+s5], $0x80, s18, s5, $0xb8;
	[tilespmem:$0x10800] =	vst v63  }
0x9a: {  	_ =	swait.ge [sflag:s19], $0x4000  }
0x9b: {  	[sflag:s19] =	ssyncset.done $0x0  }
0x9c: {  	s31 =	rddreg [dreg:$0x12];
	[sflag:s19] =	ssyncadd.s32 $0xFFFFC000  }
0x9d: {  	[hbm4b:s31+s4] =	stream.strided.scatter [tilespmem:s17], [sflag:$0x6], $0x4000, s9, s4, $0x38;
	[tilespmem:$0x10800] =	vst v63  }
0x9e: {  	_ =	swait.ge [sflag:s6], $0x4000  }
0x9f: {  	[sflag:s6] =	ssyncset.done $0x0  }
0xa0: {  	s13 =	simm.s32 $0x700;
	[sflag:s6] =	ssyncadd.s32 $0xFFFFC000  }
0xa1: {  	[tilespmem:s24], [sflag:$0x4] =	stream.indirect.gather [hbm4b:s3+s5], $0x80, s13, s5, $0xb8;
	[tilespmem:$0x10800] =	vst v63  }
0xa2: {  	_ =	swait.ge [sflag:s16], $0x4000  }
0xa3: {  	[sflag:s16] =	ssyncset.done $0x0  }
0xa4: {  	s31 =	rddreg [dreg:$0x13];
	[sflag:s16] =	ssyncadd.s32 $0xFFFFC000  }
0xa5: {  	[hbm4b:s31+s4] =	stream.strided.scatter [tilespmem:s14], [sflag:$0x7], $0x4000, s9, s4, $0x38;
	[tilespmem:$0x10800] =	vst v63  }
0xa6: {  	_ =	swait.ge [sflag:s11], $0x4000  }
0xa7: {  	[sflag:s11] =	ssyncset.done $0x0  }
0xa8: {  	[sflag:s11] =	ssyncadd.s32 $0xFFFFC000  }
0xa9: {  	s0 =	simm.s32 $0x180;
	s21 =	rddreg [dreg:$0x7]  }
0xaa: {  	[tilespmem:s20], [sflag:$0x1] =	stream.indirect.gather [hbm4b:s21+s5], $0x80, s0, s5, $0xb8;
	[tilespmem:$0x10800] =	vst v63  }
0xab: {  	_ =	swait.ge [sflag:s15], $0x4000  }
0xac: {  	[sflag:s15] =	ssyncset.done $0x0  }
0xad: {  	s31 =	rddreg [dreg:$0x14];
	[sflag:s15] =	ssyncadd.s32 $0xFFFFC000  }
0xae: {  	[hbm4b:s31+s4] =	stream.strided.scatter [tilespmem:s24], [sflag:$0x8], $0x4000, s9, s4, $0x38;
	[tilespmem:$0x10800] =	vst v63  }
0xaf: {  	_ =	swait.ge [sflag:s10], $0x4000  }
0xb0: {  	[sflag:s10] =	ssyncset.done $0x0  }
0xb1: {  	[sflag:s10] =	ssyncadd.s32 $0xFFFFC000  }
0xb2: {  	s26 =	simm.s32 $0x380;
	s23 =	rddreg [dreg:$0x7]  }
0xb3: {  	[tilespmem:s17], [sflag:$0x2] =	stream.indirect.gather [hbm4b:s23+s5], $0x80, s26, s5, $0xb8;
	[tilespmem:$0x10800] =	vst v63  }
0xb4: {  	s2 =	rddreg [dreg:$0x7];
	_ =	swait.ge [sflag:s22], $0x4000  }
0xb5: {  	[sflag:s22] =	ssyncset.done $0x0  }
0xb6: {  	s31 =	rddreg [dreg:$0x15];
	[sflag:s22] =	ssyncadd.s32 $0xFFFFC000  }
0xb7: {  	[hbm4b:s31+s4] =	stream.strided.scatter [tilespmem:s20], [sflag:$0x5], $0x4000, s9, s4, $0x38;
	[tilespmem:$0x10800] =	vst v63  }
0xb8: {  	_ =	swait.ge [sflag:s8], $0x4000  }
0xb9: {  	[sflag:s8] =	ssyncset.done $0x0  }
0xba: {  	s12 =	simm.s32 $0x580;
	[sflag:s8] =	ssyncadd.s32 $0xFFFFC000  }
0xbb: {  	[tilespmem:s14], [sflag:$0x3] =	stream.indirect.gather [hbm4b:s2+s5], $0x80, s12, s5, $0xb8;
	[tilespmem:$0x10800] =	vst v63  }
0xbc: {  	_ =	swait.ge [sflag:s19], $0x4000  }
0xbd: {  	[sflag:s19] =	ssyncset.done $0x0  }
0xbe: {  	s31 =	rddreg [dreg:$0x16];
	[sflag:s19] =	ssyncadd.s32 $0xFFFFC000  }
0xbf: {  	[hbm4b:s31+s4] =	stream.strided.scatter [tilespmem:s17], [sflag:$0x6], $0x4000, s9, s4, $0x38;
	[tilespmem:$0x10800] =	vst v63  }
0xc0: {  	_ =	swait.ge [sflag:s6], $0x4000  }
0xc1: {  	[sflag:s6] =	ssyncset.done $0x0  }
0xc2: {  	[sflag:s6] =	ssyncadd.s32 $0xFFFFC000  }
0xc3: {  	[tilespmem:s24], [sflag:$0x4] =	stream.indirect.gather [hbm4b:s2+s5], $0x80, s29, s5, $0xb8;
	[tilespmem:$0x10800] =	vst v63  }
0xc4: {  	_ =	swait.ge [sflag:s16], $0x4000  }
0xc5: {  	[sflag:s16] =	ssyncset.done $0x0  }
0xc6: {  	s31 =	rddreg [dreg:$0x17];
	[sflag:s16] =	ssyncadd.s32 $0xFFFFC000  }
0xc7: {  	[hbm4b:s31+s4] =	stream.strided.scatter [tilespmem:s14], [sflag:$0x7], $0x4000, s9, s4, $0x38;
	[tilespmem:$0x10800] =	vst v63  }
0xc8: {  	_ =	swait.ge [sflag:s15], $0x4000  }
0xc9: {  	[sflag:s15] =	ssyncset.done $0x0  }
0xca: {  	s31 =	rddreg [dreg:$0x18];
	[sflag:s15] =	ssyncadd.s32 $0xFFFFC000  }
0xcb: {  	[hbm4b:s31+s4] =	stream.strided.scatter [tilespmem:s24], [sflag:$0x8], $0x4000, s9, s4, $0x38;
	[tilespmem:$0x10800] =	vst v63  }
0xcc: {  	_ =	swait.ge [sflag:s11], $0x4000  }
0xcd: {  	[sflag:s11] =	ssyncset.done $0x0  }
0xce: {  	[sflag:s11] =	ssyncadd.s32 $0xFFFFC000  }
0xcf: {  	_ =	swait.ge [sflag:s10], $0x4000  }
0xd0: {  	[sflag:s10] =	ssyncset.done $0x0  }
0xd1: {  	[sflag:s10] =	ssyncadd.s32 $0xFFFFC000  }
0xd2: {  	_ =	swait.ge [sflag:s8], $0x4000  }
0xd3: {  	s28 =	sld [smem:$0x7FD];
	_ =	sdelay $0x2  }
0xd4: {  	p1 =	sne.s32 s28, $0x1  }
.Ltmp1:
0xd5: {  	_ = 	snop;
	(pc) =	sbr.rel @!p1 .LBB2_6-.Ltmp1, $4  }
0xd6: {  	[sflag:s8] =	ssyncset.done $0x0  }
0xd7: {  	[sflag:s8] =	ssyncadd.s32 $0xFFFFC000  }
0xd8: {  	_ =	swait.ge [sflag:s6], $0x4000  }
0xd9: {  	p0 =	por $0x1, $0x1;
	s31 =	sadd.s32 $0xFFFFFFFF, s28;
	[sflag:s6] =	ssyncset.done $0x0  }
0xda: {  	s13 =	simm.s32 $0x200;
	s28 =	simm.s32 $0x600  }
0xdb: {  	s7 =	simm.s32 $0x280;
	s21 =	simm.s32 $0x680;
	s26 =	simm.s32 $0x100  }
0xdc: {  	s18 =	simm.s32 $0x300;
	s12 =	simm.s32 $0x500;
	s23 =	simm.s32 $0x180  }
.LBB2_3:
0xdd: {  	s0 =	sld [smem:$0x7F3];
	_ =	sdelay $0x1  }
0xde: {  	[sflag:s6] =	ssyncadd.s32 $0xFFFFC000  }
0xdf: {  	[tilespmem:s30], [sflag:$0x9] =	stream.linear.gather [hbm4b:s0+s30], $0x80, $0x38;
	[tilespmem:$0x10800] =	vst v63  }
0xe0: {  	s29 =	rddreg [dreg:$0x19]  }
0xe1: {  	[tilespmem:s13], [sflag:$0x9] =	stream.linear.gather [hbm4b:s29+s30], $0x80, $0x38;
	[tilespmem:$0x10800] =	vst v63  }
0xe2: {  	s1 =	rddreg [dreg:$0x1a]  }
0xe3: {  	[tilespmem:s4], [sflag:$0x9] =	stream.linear.gather [hbm4b:s1+s30], $0x80, $0x38;
	[tilespmem:$0x10800] =	vst v63  }
0xe4: {  	s29 =	rddreg [dreg:$0x1b]  }
0xe5: {  	[tilespmem:s28], [sflag:$0x9] =	stream.linear.gather [hbm4b:s29+s30], $0x80, $0x38;
	[tilespmem:$0x10800] =	vst v63  }
0xe6: {  	_ =	swait.ge [sflag:s25], $0x200  }
0xe7: {  	[sflag:s25] =	ssyncset.done $0x0;
	s2 =	rddreg [dreg:$0x1f]  }
0xe8: {  	s3 =	sld [smem:$0x7F4];
	[sflag:s25] =	ssyncadd.s32 $0xFFFFFE00  }
0xe9: {  	[tilespmem:s5], [sflag:$0x9] =	stream.linear.gather [hbm4b:s2+s30], $0x80, $0x38;
	[tilespmem:$0x10800] =	vst v63  }
0xea: {  	s14 =	sld [smem:$0x7F5]  }
0xeb: {  	[tilespmem:s7], [sflag:$0x9] =	stream.linear.gather [hbm4b:s3+s30], $0x80, $0x38;
	[tilespmem:$0x10800] =	vst v63  }
0xec: {  	s0 =	simm.s32 $0x480;
	s17 =	sld [smem:$0x7F6]  }
0xed: {  	[tilespmem:s0], [sflag:$0x9] =	stream.linear.gather [hbm4b:s14+s30], $0x80, $0x38;
	[tilespmem:$0x10800] =	vst v63  }
0xee: {  	_ = 	snop  }
0xef: {  	[tilespmem:s21], [sflag:$0x9] =	stream.linear.gather [hbm4b:s17+s30], $0x80, $0x38;
	[tilespmem:$0x10800] =	vst v63  }
0xf0: {  	_ =	swait.ge [sflag:s25], $0x200  }
0xf1: {  	[sflag:s25] =	ssyncset.done $0x0;
	s20 =	rddreg [dreg:$0x1e]  }
0xf2: {  	s24 =	sld [smem:$0x7F7];
	[sflag:s25] =	ssyncadd.s32 $0xFFFFFE00  }
0xf3: {  	[tilespmem:s26], [sflag:$0x9] =	stream.linear.gather [hbm4b:s20+s30], $0x80, $0x38;
	[tilespmem:$0x10800] =	vst v63  }
0xf4: {  	s2 =	sld [smem:$0x7F8]  }
0xf5: {  	[tilespmem:s18], [sflag:$0x9] =	stream.linear.gather [hbm4b:s24+s30], $0x80, $0x38;
	[tilespmem:$0x10800] =	vst v63  }
0xf6: {  	s3 =	sld [smem:$0x7F9]  }
0xf7: {  	[tilespmem:s12], [sflag:$0x9] =	stream.linear.gather [hbm4b:s2+s30], $0x80, $0x38;
	[tilespmem:$0x10800] =	vst v63  }
0xf8: {  	s24 =	simm.s32 $0x700  }
0xf9: {  	[tilespmem:s24], [sflag:$0x9] =	stream.linear.gather [hbm4b:s3+s30], $0x80, $0x38;
	[tilespmem:$0x10800] =	vst v63  }
0xfa: {  	_ =	swait.ge [sflag:s25], $0x200  }
0xfb: {  	[sflag:s25] =	ssyncset.done $0x0;
	s3 =	rddreg [dreg:$0x1d]  }
0xfc: {  	s1 =	sld [smem:$0x7FA];
	[sflag:s25] =	ssyncadd.s32 $0xFFFFFE00  }
0xfd: {  	[tilespmem:s23], [sflag:$0x9] =	stream.linear.gather [hbm4b:s3+s30], $0x80, $0x38;
	[tilespmem:$0x10800] =	vst v63  }
0xfe: {  	s3 =	simm.s32 $0x380  }
0xff: {  	[tilespmem:s3], [sflag:$0x9] =	stream.linear.gather [hbm4b:s1+s30], $0x80, $0x38;
	[tilespmem:$0x10800] =	vst v63  }
0x100: {  	s1 =	sld [smem:$0x7FB];
	_ =	sdelay $0x1  }
0x101: {  	s3 =	simm.s32 $0x580  }
0x102: {  	[tilespmem:s3], [sflag:$0x9] =	stream.linear.gather [hbm4b:s1+s30], $0x80, $0x38;
	[tilespmem:$0x10800] =	vst v63  }
0x103: {  	s3 =	sld [smem:$0x7FC];
	_ =	sdelay $0x1  }
0x104: {  	s29 =	simm.s32 $0x780  }
0x105: {  	[tilespmem:s29], [sflag:$0x9] =	stream.linear.gather [hbm4b:s3+s30], $0x80, $0x38;
	[tilespmem:$0x10800] =	vst v63  }
0x106: {  	_ =	swait.ge [sflag:s25], $0x200  }
0x107: {  	[sflag:s25] =	ssyncset.done $0x0  }
0x108: {  	[sflag:s25] =	ssyncadd.s32 $0xFFFFFE00  }
0x109: {  	s2 =	simm.s32 $0x800;
	s3 =	rddreg [dreg:$0x4]  }
0x10a: {  	[tilespmem:s2], [sflag:$0x1] =	stream.indirect.gather [hbm4b:s3+s5], $0x80, s30, s5, $0xb8;
	[tilespmem:$0x10800] =	vst v63  }
0x10b: {  	s20 =	simm.s32 $0x4800  }
0x10c: {  	[tilespmem:s20], [sflag:$0x2] =	stream.indirect.gather [hbm4b:s3+s5], $0x80, s13, s5, $0xb8;
	[tilespmem:$0x10800] =	vst v63  }
0x10d: {  	_ =	swait.ge [sflag:s22], $0x4000  }
0x10e: {  	[sflag:s22] =	ssyncset.done $0x0  }
0x10f: {  	s1 =	rddreg [dreg:$0x1c];
	[sflag:s22] =	ssyncadd.s32 $0xFFFFC000  }
0x110: {  	[hbm4b:s1+s4] =	stream.strided.scatter [tilespmem:s2], [sflag:$0x5], $0x4000, s9, s4, $0x38;
	[tilespmem:$0x10800] =	vst v63  }
0x111: {  	s17 =	simm.s32 $0x8800  }
0x112: {  	[tilespmem:s17], [sflag:$0x3] =	stream.indirect.gather [hbm4b:s3+s5], $0x80, s4, s5, $0xb8;
	[tilespmem:$0x10800] =	vst v63  }
0x113: {  	_ =	swait.ge [sflag:s19], $0x4000  }
0x114: {  	[sflag:s19] =	ssyncset.done $0x0  }
0x115: {  	s1 =	rddreg [dreg:$0xa];
	[sflag:s19] =	ssyncadd.s32 $0xFFFFC000  }
0x116: {  	[hbm4b:s1+s4] =	stream.strided.scatter [tilespmem:s20], [sflag:$0x6], $0x4000, s9, s4, $0x38;
	[tilespmem:$0x10800] =	vst v63  }
0x117: {  	s14 =	simm.s32 $0xC800  }
0x118: {  	[tilespmem:s14], [sflag:$0x4] =	stream.indirect.gather [hbm4b:s3+s5], $0x80, s28, s5, $0xb8;
	[tilespmem:$0x10800] =	vst v63  }
0x119: {  	_ =	swait.ge [sflag:s16], $0x4000  }
0x11a: {  	[sflag:s16] =	ssyncset.done $0x0  }
0x11b: {  	s3 =	rddreg [dreg:$0xb];
	[sflag:s16] =	ssyncadd.s32 $0xFFFFC000  }
0x11c: {  	[hbm4b:s3+s4] =	stream.strided.scatter [tilespmem:s17], [sflag:$0x7], $0x4000, s9, s4, $0x38;
	[tilespmem:$0x10800] =	vst v63  }
0x11d: {  	_ =	swait.ge [sflag:s11], $0x4000  }
0x11e: {  	[sflag:s11] =	ssyncset.done $0x0  }
0x11f: {  	[sflag:s11] =	ssyncadd.s32 $0xFFFFC000  }
0x120: {  	s3 =	rddreg [dreg:$0x5]  }
0x121: {  	[tilespmem:s2], [sflag:$0x1] =	stream.indirect.gather [hbm4b:s3+s5], $0x80, s5, s5, $0xb8;
	[tilespmem:$0x10800] =	vst v63  }
0x122: {  	_ =	swait.ge [sflag:s15], $0x4000  }
0x123: {  	[sflag:s15] =	ssyncset.done $0x0  }
0x124: {  	s1 =	rddreg [dreg:$0xc];
	[sflag:s15] =	ssyncadd.s32 $0xFFFFC000  }
0x125: {  	[hbm4b:s1+s4] =	stream.strided.scatter [tilespmem:s14], [sflag:$0x8], $0x4000, s9, s4, $0x38;
	[tilespmem:$0x10800] =	vst v63  }
0x126: {  	_ =	swait.ge [sflag:s10], $0x4000  }
0x127: {  	[sflag:s10] =	ssyncset.done $0x0  }
0x128: {  	[sflag:s10] =	ssyncadd.s32 $0xFFFFC000  }
0x129: {  	[tilespmem:s20], [sflag:$0x2] =	stream.indirect.gather [hbm4b:s3+s5], $0x80, s7, s5, $0xb8;
	[tilespmem:$0x10800] =	vst v63  }
0x12a: {  	_ =	swait.ge [sflag:s22], $0x4000  }
0x12b: {  	[sflag:s22] =	ssyncset.done $0x0  }
0x12c: {  	s1 =	rddreg [dreg:$0xd];
	[sflag:s22] =	ssyncadd.s32 $0xFFFFC000  }
0x12d: {  	[hbm4b:s1+s4] =	stream.strided.scatter [tilespmem:s2], [sflag:$0x5], $0x4000, s9, s4, $0x38;
	[tilespmem:$0x10800] =	vst v63  }
0x12e: {  	_ =	swait.ge [sflag:s8], $0x4000  }
0x12f: {  	[sflag:s8] =	ssyncset.done $0x0  }
0x130: {  	[sflag:s8] =	ssyncadd.s32 $0xFFFFC000  }
0x131: {  	[tilespmem:s17], [sflag:$0x3] =	stream.indirect.gather [hbm4b:s3+s5], $0x80, s0, s5, $0xb8;
	[tilespmem:$0x10800] =	vst v63  }
0x132: {  	_ =	swait.ge [sflag:s19], $0x4000  }
0x133: {  	[sflag:s19] =	ssyncset.done $0x0  }
0x134: {  	s0 =	rddreg [dreg:$0xe];
	[sflag:s19] =	ssyncadd.s32 $0xFFFFC000  }
0x135: {  	[hbm4b:s0+s4] =	stream.strided.scatter [tilespmem:s20], [sflag:$0x6], $0x4000, s9, s4, $0x38;
	[tilespmem:$0x10800] =	vst v63  }
0x136: {  	_ =	swait.ge [sflag:s6], $0x4000  }
0x137: {  	[sflag:s6] =	ssyncset.done $0x0  }
0x138: {  	[sflag:s6] =	ssyncadd.s32 $0xFFFFC000  }
0x139: {  	[tilespmem:s14], [sflag:$0x4] =	stream.indirect.gather [hbm4b:s3+s5], $0x80, s21, s5, $0xb8;
	[tilespmem:$0x10800] =	vst v63  }
0x13a: {  	_ =	swait.ge [sflag:s16], $0x4000  }
0x13b: {  	[sflag:s16] =	ssyncset.done $0x0  }
0x13c: {  	s0 =	rddreg [dreg:$0xf];
	[sflag:s16] =	ssyncadd.s32 $0xFFFFC000  }
0x13d: {  	[hbm4b:s0+s4] =	stream.strided.scatter [tilespmem:s17], [sflag:$0x7], $0x4000, s9, s4, $0x38;
	[tilespmem:$0x10800] =	vst v63  }
0x13e: {  	_ =	swait.ge [sflag:s11], $0x4000  }
0x13f: {  	[sflag:s11] =	ssyncset.done $0x0  }
0x140: {  	[sflag:s11] =	ssyncadd.s32 $0xFFFFC000  }
0x141: {  	s0 =	rddreg [dreg:$0x6]  }
0x142: {  	[tilespmem:s2], [sflag:$0x1] =	stream.indirect.gather [hbm4b:s0+s5], $0x80, s26, s5, $0xb8;
	[tilespmem:$0x10800] =	vst v63  }
0x143: {  	_ =	swait.ge [sflag:s15], $0x4000  }
0x144: {  	[sflag:s15] =	ssyncset.done $0x0  }
0x145: {  	s3 =	rddreg [dreg:$0x10];
	[sflag:s15] =	ssyncadd.s32 $0xFFFFC000  }
0x146: {  	[hbm4b:s3+s4] =	stream.strided.scatter [tilespmem:s14], [sflag:$0x8], $0x4000, s9, s4, $0x38;
	[tilespmem:$0x10800] =	vst v63  }
0x147: {  	_ =	swait.ge [sflag:s10], $0x4000  }
0x148: {  	[sflag:s10] =	ssyncset.done $0x0  }
0x149: {  	[sflag:s10] =	ssyncadd.s32 $0xFFFFC000  }
0x14a: {  	[tilespmem:s20], [sflag:$0x2] =	stream.indirect.gather [hbm4b:s0+s5], $0x80, s18, s5, $0xb8;
	[tilespmem:$0x10800] =	vst v63  }
0x14b: {  	_ =	swait.ge [sflag:s22], $0x4000  }
0x14c: {  	[sflag:s22] =	ssyncset.done $0x0  }
0x14d: {  	s20 =	simm.s32 $0x800;
	s2 =	rddreg [dreg:$0x11];
	[sflag:s22] =	ssyncadd.s32 $0xFFFFC000  }
0x14e: {  	[hbm4b:s2+s4] =	stream.strided.scatter [tilespmem:s20], [sflag:$0x5], $0x4000, s9, s4, $0x38;
	[tilespmem:$0x10800] =	vst v63  }
0x14f: {  	_ =	swait.ge [sflag:s8], $0x4000  }
0x150: {  	[sflag:s8] =	ssyncset.done $0x0  }
0x151: {  	[sflag:s8] =	ssyncadd.s32 $0xFFFFC000  }
0x152: {  	[tilespmem:s17], [sflag:$0x3] =	stream.indirect.gather [hbm4b:s0+s5], $0x80, s12, s5, $0xb8;
	[tilespmem:$0x10800] =	vst v63  }
0x153: {  	_ =	swait.ge [sflag:s19], $0x4000  }
0x154: {  	[sflag:s19] =	ssyncset.done $0x0  }
0x155: {  	s17 =	simm.s32 $0x4800;
	s3 =	rddreg [dreg:$0x12];
	[sflag:s19] =	ssyncadd.s32 $0xFFFFC000  }
0x156: {  	[hbm4b:s3+s4] =	stream.strided.scatter [tilespmem:s17], [sflag:$0x6], $0x4000, s9, s4, $0x38;
	[tilespmem:$0x10800] =	vst v63  }
0x157: {  	_ =	swait.ge [sflag:s6], $0x4000  }
0x158: {  	[sflag:s6] =	ssyncset.done $0x0  }
0x159: {  	[sflag:s6] =	ssyncadd.s32 $0xFFFFC000  }
0x15a: {  	[tilespmem:s14], [sflag:$0x4] =	stream.indirect.gather [hbm4b:s0+s5], $0x80, s24, s5, $0xb8;
	[tilespmem:$0x10800] =	vst v63  }
0x15b: {  	_ =	swait.ge [sflag:s16], $0x4000  }
0x15c: {  	[sflag:s16] =	ssyncset.done $0x0  }
0x15d: {  	s14 =	simm.s32 $0x8800;
	s2 =	rddreg [dreg:$0x13];
	[sflag:s16] =	ssyncadd.s32 $0xFFFFC000  }
0x15e: {  	[hbm4b:s2+s4] =	stream.strided.scatter [tilespmem:s14], [sflag:$0x7], $0x4000, s9, s4, $0x38;
	[tilespmem:$0x10800] =	vst v63  }
0x15f: {  	_ =	swait.ge [sflag:s11], $0x4000  }
0x160: {  	[sflag:s11] =	ssyncset.done $0x0  }
0x161: {  	[sflag:s11] =	ssyncadd.s32 $0xFFFFC000  }
0x162: {  	s3 =	rddreg [dreg:$0x7]  }
0x163: {  	[tilespmem:s20], [sflag:$0x1] =	stream.indirect.gather [hbm4b:s3+s5], $0x80, s23, s5, $0xb8;
	[tilespmem:$0x10800] =	vst v63  }
0x164: {  	_ =	swait.ge [sflag:s15], $0x4000  }
0x165: {  	[sflag:s15] =	ssyncset.done $0x0  }
0x166: {  	s24 =	simm.s32 $0xC800;
	s0 =	rddreg [dreg:$0x14];
	[sflag:s15] =	ssyncadd.s32 $0xFFFFC000  }
0x167: {  	[hbm4b:s0+s4] =	stream.strided.scatter [tilespmem:s24], [sflag:$0x8], $0x4000, s9, s4, $0x38;
	[tilespmem:$0x10800] =	vst v63  }
0x168: {  	_ =	swait.ge [sflag:s10], $0x4000  }
0x169: {  	[sflag:s10] =	ssyncset.done $0x0  }
0x16a: {  	[sflag:s10] =	ssyncadd.s32 $0xFFFFC000  }
0x16b: {  	s3 =	simm.s32 $0x380;
	s2 =	rddreg [dreg:$0x7]  }
0x16c: {  	[tilespmem:s17], [sflag:$0x2] =	stream.indirect.gather [hbm4b:s2+s5], $0x80, s3, s5, $0xb8;
	[tilespmem:$0x10800] =	vst v63  }
0x16d: {  	s2 =	rddreg [dreg:$0x7];
	_ =	swait.ge [sflag:s22], $0x4000  }
0x16e: {  	[sflag:s22] =	ssyncset.done $0x0  }
0x16f: {  	s0 =	rddreg [dreg:$0x15];
	[sflag:s22] =	ssyncadd.s32 $0xFFFFC000  }
0x170: {  	[hbm4b:s0+s4] =	stream.strided.scatter [tilespmem:s20], [sflag:$0x5], $0x4000, s9, s4, $0x38;
	[tilespmem:$0x10800] =	vst v63  }
0x171: {  	_ =	swait.ge [sflag:s8], $0x4000  }
0x172: {  	[sflag:s8] =	ssyncset.done $0x0  }
0x173: {  	s1 =	simm.s32 $0x580;
	[sflag:s8] =	ssyncadd.s32 $0xFFFFC000  }
0x174: {  	[tilespmem:s14], [sflag:$0x3] =	stream.indirect.gather [hbm4b:s2+s5], $0x80, s1, s5, $0xb8;
	[tilespmem:$0x10800] =	vst v63  }
0x175: {  	_ =	swait.ge [sflag:s19], $0x4000  }
0x176: {  	[sflag:s19] =	ssyncset.done $0x0  }
0x177: {  	s3 =	rddreg [dreg:$0x16];
	[sflag:s19] =	ssyncadd.s32 $0xFFFFC000  }
0x178: {  	[hbm4b:s3+s4] =	stream.strided.scatter [tilespmem:s17], [sflag:$0x6], $0x4000, s9, s4, $0x38;
	[tilespmem:$0x10800] =	vst v63  }
0x179: {  	_ =	swait.ge [sflag:s6], $0x4000  }
0x17a: {  	[sflag:s6] =	ssyncset.done $0x0  }
0x17b: {  	[sflag:s6] =	ssyncadd.s32 $0xFFFFC000  }
0x17c: {  	[tilespmem:s24], [sflag:$0x4] =	stream.indirect.gather [hbm4b:s2+s5], $0x80, s29, s5, $0xb8;
	[tilespmem:$0x10800] =	vst v63  }
0x17d: {  	_ =	swait.ge [sflag:s16], $0x4000  }
0x17e: {  	[sflag:s16] =	ssyncset.done $0x0  }
0x17f: {  	s0 =	rddreg [dreg:$0x17];
	[sflag:s16] =	ssyncadd.s32 $0xFFFFC000  }
0x180: {  	[hbm4b:s0+s4] =	stream.strided.scatter [tilespmem:s14], [sflag:$0x7], $0x4000, s9, s4, $0x38;
	[tilespmem:$0x10800] =	vst v63  }
0x181: {  	_ =	swait.ge [sflag:s15], $0x4000  }
0x182: {  	[sflag:s15] =	ssyncset.done $0x0  }
0x183: {  	s3 =	rddreg [dreg:$0x18];
	[sflag:s15] =	ssyncadd.s32 $0xFFFFC000  }
0x184: {  	[hbm4b:s3+s4] =	stream.strided.scatter [tilespmem:s24], [sflag:$0x8], $0x4000, s9, s4, $0x38;
	[tilespmem:$0x10800] =	vst v63  }
0x185: {  	_ =	swait.ge [sflag:s11], $0x4000  }
0x186: {  	[sflag:s11] =	ssyncset.done $0x0  }
0x187: {  	[sflag:s11] =	ssyncadd.s32 $0xFFFFC000  }
0x188: {  	_ =	swait.ge [sflag:s10], $0x4000  }
0x189: {  	[sflag:s10] =	ssyncset.done $0x0  }
0x18a: {  	p1 =	sne.s32 s31, $0x1;
	[sflag:s10] =	ssyncadd.s32 $0xFFFFC000  }
.Ltmp2:
0x18b: {  	_ =	swait.ge [sflag:s8], $0x4000;
	(pc) =	sbr.rel @p1 .LBB2_3-.Ltmp2, $4  }
0x18c: {  	[sflag:s8] =	ssyncset.done $0x0  }
0x18d: {  	[sflag:s8] =	ssyncadd.s32 $0xFFFFC000  }
0x18e: {  	_ =	swait.ge [sflag:s6], $0x4000  }
0x18f: {  	s31 =	sadd.s32 $0xFFFFFFFF, s31;
	[sflag:s6] =	ssyncset.done $0x0  }
0x190: {  	s28 =	sld [smem:$0x7F3]  }
0x191: {  	s26 =	simm.s32 $0x380;
	s21 =	simm.s32 $0x180;
	s3 =	rddreg [dreg:$0x6]  }
0x192: {  	s23 =	simm.s32 $0x700;
	s31 =	simm.s32 $0x500;
	s7 =	rddreg [dreg:$0x5]  }
0x193: {  	s13 =	simm.s32 $0x680;
	s18 =	simm.s32 $0x280;
	s12 =	rddreg [dreg:$0x4]  }
.LBB2_5:
0x194: {  	[sflag:s6] =	ssyncadd.s32 @p0 $0xFFFFC000  }
0x195: {  	[tilespmem:s30], [sflag:$0x9] =	stream.linear.gather [hbm4b:s28+s30], $0x80, $0x38;
	[tilespmem:$0x10800] =	vst v63  }
0x196: {  	s0 =	rddreg [dreg:$0x19];
	s28 =	simm.s32 $0x200  }
0x197: {  	[tilespmem:s28], [sflag:$0x9] =	stream.linear.gather [hbm4b:s0+s30], $0x80, $0x38;
	[tilespmem:$0x10800] =	vst v63  }
0x198: {  	s1 =	rddreg [dreg:$0x1a]  }
0x199: {  	[tilespmem:s4], [sflag:$0x9] =	stream.linear.gather [hbm4b:s1+s30], $0x80, $0x38;
	[tilespmem:$0x10800] =	vst v63  }
0x19a: {  	s0 =	rddreg [dreg:$0x1b];
	s1 =	simm.s32 $0x600  }
0x19b: {  	[tilespmem:s1], [sflag:$0x9] =	stream.linear.gather [hbm4b:s0+s30], $0x80, $0x38;
	[tilespmem:$0x10800] =	vst v63  }
0x19c: {  	_ =	swait.ge [sflag:s25], $0x200  }
0x19d: {  	[sflag:s25] =	ssyncset.done $0x0  }
0x19e: {  	s1 =	rddreg [dreg:$0x1f];
	[sflag:s25] =	ssyncadd.s32 $0xFFFFFE00  }
0x19f: {  	[tilespmem:s5], [sflag:$0x9] =	stream.linear.gather [hbm4b:s1+s30], $0x80, $0x38;
	[tilespmem:$0x10800] =	vst v63  }
0x1a0: {  	s0 =	sadd.s32 $0x10, s1  }
0x1a1: {  	[tilespmem:s18], [sflag:$0x9] =	stream.linear.gather [hbm4b:s0+s30], $0x80, $0x38;
	[tilespmem:$0x10800] =	vst v63  }
0x1a2: {  	s0 =	sadd.s32 $0x20, s1;
	s18 =	simm.s32 $0x480  }
0x1a3: {  	[tilespmem:s18], [sflag:$0x9] =	stream.linear.gather [hbm4b:s0+s30], $0x80, $0x38;
	[tilespmem:$0x10800] =	vst v63  }
0x1a4: {  	s1 =	sadd.s32 $0x30, s1  }
0x1a5: {  	[tilespmem:s13], [sflag:$0x9] =	stream.linear.gather [hbm4b:s1+s30], $0x80, $0x38;
	[tilespmem:$0x10800] =	vst v63  }
0x1a6: {  	_ =	swait.ge [sflag:s25], $0x200  }
0x1a7: {  	[sflag:s25] =	ssyncset.done $0x0  }
0x1a8: {  	s13 =	simm.s32 $0x100;
	s1 =	rddreg [dreg:$0x1e];
	[sflag:s25] =	ssyncadd.s32 $0xFFFFFE00  }
0x1a9: {  	[tilespmem:s13], [sflag:$0x9] =	stream.linear.gather [hbm4b:s1+s30], $0x80, $0x38;
	[tilespmem:$0x10800] =	vst v63  }
0x1aa: {  	s0 =	sadd.s32 $0x10, s1;
	s13 =	simm.s32 $0x300  }
0x1ab: {  	[tilespmem:s13], [sflag:$0x9] =	stream.linear.gather [hbm4b:s0+s30], $0x80, $0x38;
	[tilespmem:$0x10800] =	vst v63  }
0x1ac: {  	s13 =	sadd.s32 $0x20, s1  }
0x1ad: {  	[tilespmem:s31], [sflag:$0x9] =	stream.linear.gather [hbm4b:s13+s30], $0x80, $0x38;
	[tilespmem:$0x10800] =	vst v63  }
0x1ae: {  	s1 =	sadd.s32 $0x30, s1  }
0x1af: {  	[tilespmem:s23], [sflag:$0x9] =	stream.linear.gather [hbm4b:s1+s30], $0x80, $0x38;
	[tilespmem:$0x10800] =	vst v63  }
0x1b0: {  	_ =	swait.ge [sflag:s25], $0x200  }
0x1b1: {  	[sflag:s25] =	ssyncset.done $0x0  }
0x1b2: {  	s1 =	rddreg [dreg:$0x1d];
	[sflag:s25] =	ssyncadd.s32 $0xFFFFFE00  }
0x1b3: {  	[tilespmem:s21], [sflag:$0x9] =	stream.linear.gather [hbm4b:s1+s30], $0x80, $0x38;
	[tilespmem:$0x10800] =	vst v63  }
0x1b4: {  	s13 =	sadd.s32 $0x10, s1  }
0x1b5: {  	[tilespmem:s26], [sflag:$0x9] =	stream.linear.gather [hbm4b:s13+s30], $0x80, $0x38;
	[tilespmem:$0x10800] =	vst v63  }
0x1b6: {  	s0 =	sadd.s32 $0x20, s1;
	s13 =	simm.s32 $0x580  }
0x1b7: {  	[tilespmem:s13], [sflag:$0x9] =	stream.linear.gather [hbm4b:s0+s30], $0x80, $0x38;
	[tilespmem:$0x10800] =	vst v63  }
0x1b8: {  	s1 =	sadd.s32 $0x30, s1  }
0x1b9: {  	[tilespmem:s29], [sflag:$0x9] =	stream.linear.gather [hbm4b:s1+s30], $0x80, $0x38;
	[tilespmem:$0x10800] =	vst v63  }
0x1ba: {  	_ =	swait.ge [sflag:s25], $0x200  }
0x1bb: {  	[sflag:s25] =	ssyncset.done $0x0  }
0x1bc: {  	[sflag:s25] =	ssyncadd.s32 $0xFFFFFE00  }
0x1bd: {  	[tilespmem:s20], [sflag:$0x1] =	stream.indirect.gather [hbm4b:s12+s5], $0x80, s30, s5, $0xb8;
	[tilespmem:$0x10800] =	vst v63  }
0x1be: {  	_ = 	snop  }
0x1bf: {  	[tilespmem:s17], [sflag:$0x2] =	stream.indirect.gather [hbm4b:s12+s5], $0x80, s28, s5, $0xb8;
	[tilespmem:$0x10800] =	vst v63  }
0x1c0: {  	_ =	swait.ge [sflag:s22], $0x4000  }
0x1c1: {  	[sflag:s22] =	ssyncset.done $0x0  }
0x1c2: {  	s30 =	rddreg [dreg:$0x1c];
	[sflag:s22] =	ssyncadd.s32 $0xFFFFC000  }
0x1c3: {  	[hbm4b:s30+s4] =	stream.strided.scatter [tilespmem:s20], [sflag:$0x5], $0x4000, s9, s4, $0x38;
	[tilespmem:$0x10800] =	vst v63  }
0x1c4: {  	_ = 	snop  }
0x1c5: {  	[tilespmem:s14], [sflag:$0x3] =	stream.indirect.gather [hbm4b:s12+s5], $0x80, s4, s5, $0xb8;
	[tilespmem:$0x10800] =	vst v63  }
0x1c6: {  	_ =	swait.ge [sflag:s19], $0x4000  }
0x1c7: {  	[sflag:s19] =	ssyncset.done $0x0  }
0x1c8: {  	s1 =	rddreg [dreg:$0xa];
	[sflag:s19] =	ssyncadd.s32 $0xFFFFC000  }
0x1c9: {  	[hbm4b:s1+s4] =	stream.strided.scatter [tilespmem:s17], [sflag:$0x6], $0x4000, s9, s4, $0x38;
	[tilespmem:$0x10800] =	vst v63  }
0x1ca: {  	s25 =	simm.s32 $0x600  }
0x1cb: {  	[tilespmem:s24], [sflag:$0x4] =	stream.indirect.gather [hbm4b:s12+s5], $0x80, s25, s5, $0xb8;
	[tilespmem:$0x10800] =	vst v63  }
0x1cc: {  	_ =	swait.ge [sflag:s16], $0x4000  }
0x1cd: {  	[sflag:s16] =	ssyncset.done $0x0  }
0x1ce: {  	s28 =	rddreg [dreg:$0xb];
	[sflag:s16] =	ssyncadd.s32 $0xFFFFC000  }
0x1cf: {  	[hbm4b:s28+s4] =	stream.strided.scatter [tilespmem:s14], [sflag:$0x7], $0x4000, s9, s4, $0x38;
	[tilespmem:$0x10800] =	vst v63  }
0x1d0: {  	_ =	swait.ge [sflag:s11], $0x4000  }
0x1d1: {  	[sflag:s11] =	ssyncset.done $0x0  }
0x1d2: {  	[sflag:s11] =	ssyncadd.s32 $0xFFFFC000  }
0x1d3: {  	[tilespmem:s20], [sflag:$0x1] =	stream.indirect.gather [hbm4b:s7+s5], $0x80, s5, s5, $0xb8;
	[tilespmem:$0x10800] =	vst v63  }
0x1d4: {  	_ =	swait.ge [sflag:s15], $0x4000  }
0x1d5: {  	[sflag:s15] =	ssyncset.done $0x0  }
0x1d6: {  	s30 =	rddreg [dreg:$0xc];
	[sflag:s15] =	ssyncadd.s32 $0xFFFFC000  }
0x1d7: {  	[hbm4b:s30+s4] =	stream.strided.scatter [tilespmem:s24], [sflag:$0x8], $0x4000, s9, s4, $0x38;
	[tilespmem:$0x10800] =	vst v63  }
0x1d8: {  	_ =	swait.ge [sflag:s10], $0x4000  }
0x1d9: {  	[sflag:s10] =	ssyncset.done $0x0  }
0x1da: {  	s1 =	simm.s32 $0x280;
	[sflag:s10] =	ssyncadd.s32 $0xFFFFC000  }
0x1db: {  	[tilespmem:s17], [sflag:$0x2] =	stream.indirect.gather [hbm4b:s7+s5], $0x80, s1, s5, $0xb8;
	[tilespmem:$0x10800] =	vst v63  }
0x1dc: {  	_ =	swait.ge [sflag:s22], $0x4000  }
0x1dd: {  	[sflag:s22] =	ssyncset.done $0x0  }
0x1de: {  	s12 =	rddreg [dreg:$0xd];
	[sflag:s22] =	ssyncadd.s32 $0xFFFFC000  }
0x1df: {  	[hbm4b:s12+s4] =	stream.strided.scatter [tilespmem:s20], [sflag:$0x5], $0x4000, s9, s4, $0x38;
	[tilespmem:$0x10800] =	vst v63  }
0x1e0: {  	_ =	swait.ge [sflag:s8], $0x4000  }
0x1e1: {  	[sflag:s8] =	ssyncset.done $0x0  }
0x1e2: {  	[sflag:s8] =	ssyncadd.s32 $0xFFFFC000  }
0x1e3: {  	[tilespmem:s14], [sflag:$0x3] =	stream.indirect.gather [hbm4b:s7+s5], $0x80, s18, s5, $0xb8;
	[tilespmem:$0x10800] =	vst v63  }
0x1e4: {  	_ =	swait.ge [sflag:s19], $0x4000  }
0x1e5: {  	[sflag:s19] =	ssyncset.done $0x0  }
0x1e6: {  	s18 =	rddreg [dreg:$0xe];
	[sflag:s19] =	ssyncadd.s32 $0xFFFFC000  }
0x1e7: {  	[hbm4b:s18+s4] =	stream.strided.scatter [tilespmem:s17], [sflag:$0x6], $0x4000, s9, s4, $0x38;
	[tilespmem:$0x10800] =	vst v63  }
0x1e8: {  	_ =	swait.ge [sflag:s6], $0x4000  }
0x1e9: {  	[sflag:s6] =	ssyncset.done $0x0  }
0x1ea: {  	s25 =	simm.s32 $0x680;
	[sflag:s6] =	ssyncadd.s32 $0xFFFFC000  }
0x1eb: {  	[tilespmem:s24], [sflag:$0x4] =	stream.indirect.gather [hbm4b:s7+s5], $0x80, s25, s5, $0xb8;
	[tilespmem:$0x10800] =	vst v63  }
0x1ec: {  	_ =	swait.ge [sflag:s16], $0x4000  }
0x1ed: {  	[sflag:s16] =	ssyncset.done $0x0  }
0x1ee: {  	s28 =	rddreg [dreg:$0xf];
	[sflag:s16] =	ssyncadd.s32 $0xFFFFC000  }
0x1ef: {  	[hbm4b:s28+s4] =	stream.strided.scatter [tilespmem:s14], [sflag:$0x7], $0x4000, s9, s4, $0x38;
	[tilespmem:$0x10800] =	vst v63  }
0x1f0: {  	_ =	swait.ge [sflag:s11], $0x4000  }
0x1f1: {  	[sflag:s11] =	ssyncset.done $0x0  }
0x1f2: {  	s30 =	simm.s32 $0x100;
	[sflag:s11] =	ssyncadd.s32 $0xFFFFC000  }
0x1f3: {  	[tilespmem:s20], [sflag:$0x1] =	stream.indirect.gather [hbm4b:s3+s5], $0x80, s30, s5, $0xb8;
	[tilespmem:$0x10800] =	vst v63  }
0x1f4: {  	_ =	swait.ge [sflag:s15], $0x4000  }
0x1f5: {  	[sflag:s15] =	ssyncset.done $0x0  }
0x1f6: {  	s1 =	rddreg [dreg:$0x10];
	[sflag:s15] =	ssyncadd.s32 $0xFFFFC000  }
0x1f7: {  	[hbm4b:s1+s4] =	stream.strided.scatter [tilespmem:s24], [sflag:$0x8], $0x4000, s9, s4, $0x38;
	[tilespmem:$0x10800] =	vst v63  }
0x1f8: {  	_ =	swait.ge [sflag:s10], $0x4000  }
0x1f9: {  	[sflag:s10] =	ssyncset.done $0x0  }
0x1fa: {  	s7 =	simm.s32 $0x300;
	[sflag:s10] =	ssyncadd.s32 $0xFFFFC000  }
0x1fb: {  	[tilespmem:s17], [sflag:$0x2] =	stream.indirect.gather [hbm4b:s3+s5], $0x80, s7, s5, $0xb8;
	[tilespmem:$0x10800] =	vst v63  }
0x1fc: {  	_ =	swait.ge [sflag:s22], $0x4000  }
0x1fd: {  	[sflag:s22] =	ssyncset.done $0x0  }
0x1fe: {  	s12 =	rddreg [dreg:$0x11];
	[sflag:s22] =	ssyncadd.s32 $0xFFFFC000  }
0x1ff: {  	[hbm4b:s12+s4] =	stream.strided.scatter [tilespmem:s20], [sflag:$0x5], $0x4000, s9, s4, $0x38;
	[tilespmem:$0x10800] =	vst v63  }
0x200: {  	_ =	swait.ge [sflag:s8], $0x4000  }
0x201: {  	[sflag:s8] =	ssyncset.done $0x0  }
0x202: {  	[sflag:s8] =	ssyncadd.s32 $0xFFFFC000  }
0x203: {  	[tilespmem:s14], [sflag:$0x3] =	stream.indirect.gather [hbm4b:s3+s5], $0x80, s31, s5, $0xb8;
	[tilespmem:$0x10800] =	vst v63  }
0x204: {  	_ =	swait.ge [sflag:s19], $0x4000  }
0x205: {  	[sflag:s19] =	ssyncset.done $0x0  }
0x206: {  	s18 =	rddreg [dreg:$0x12];
	[sflag:s19] =	ssyncadd.s32 $0xFFFFC000  }
0x207: {  	[hbm4b:s18+s4] =	stream.strided.scatter [tilespmem:s17], [sflag:$0x6], $0x4000, s9, s4, $0x38;
	[tilespmem:$0x10800] =	vst v63  }
0x208: {  	_ =	swait.ge [sflag:s6], $0x4000  }
0x209: {  	[sflag:s6] =	ssyncset.done $0x0  }
0x20a: {  	[sflag:s6] =	ssyncadd.s32 $0xFFFFC000  }
0x20b: {  	[tilespmem:s24], [sflag:$0x4] =	stream.indirect.gather [hbm4b:s3+s5], $0x80, s23, s5, $0xb8;
	[tilespmem:$0x10800] =	vst v63  }
0x20c: {  	_ =	swait.ge [sflag:s16], $0x4000  }
0x20d: {  	[sflag:s16] =	ssyncset.done $0x0  }
0x20e: {  	s23 =	rddreg [dreg:$0x13];
	[sflag:s16] =	ssyncadd.s32 $0xFFFFC000  }
0x20f: {  	[hbm4b:s23+s4] =	stream.strided.scatter [tilespmem:s14], [sflag:$0x7], $0x4000, s9, s4, $0x38;
	[tilespmem:$0x10800] =	vst v63  }
0x210: {  	_ =	swait.ge [sflag:s11], $0x4000  }
0x211: {  	[sflag:s11] =	ssyncset.done $0x0  }
0x212: {  	[sflag:s11] =	ssyncadd.s32 $0xFFFFC000  }
0x213: {  	[tilespmem:s20], [sflag:$0x1] =	stream.indirect.gather [hbm4b:s2+s5], $0x80, s21, s5, $0xb8;
	[tilespmem:$0x10800] =	vst v63  }
0x214: {  	_ =	swait.ge [sflag:s15], $0x4000  }
0x215: {  	[sflag:s15] =	ssyncset.done $0x0  }
0x216: {  	s25 =	rddreg [dreg:$0x14];
	[sflag:s15] =	ssyncadd.s32 $0xFFFFC000  }
0x217: {  	[hbm4b:s25+s4] =	stream.strided.scatter [tilespmem:s24], [sflag:$0x8], $0x4000, s9, s4, $0x38;
	[tilespmem:$0x10800] =	vst v63  }
0x218: {  	_ =	swait.ge [sflag:s10], $0x4000  }
0x219: {  	[sflag:s10] =	ssyncset.done $0x0  }
0x21a: {  	[sflag:s10] =	ssyncadd.s32 $0xFFFFC000  }
0x21b: {  	[tilespmem:s17], [sflag:$0x2] =	stream.indirect.gather [hbm4b:s2+s5], $0x80, s26, s5, $0xb8;
	[tilespmem:$0x10800] =	vst v63  }
0x21c: {  	_ =	swait.ge [sflag:s22], $0x4000  }
0x21d: {  	[sflag:s22] =	ssyncset.done $0x0  }
0x21e: {  	s26 =	rddreg [dreg:$0x15];
	[sflag:s22] =	ssyncadd.s32 $0xFFFFC000  }
0x21f: {  	[hbm4b:s26+s4] =	stream.strided.scatter [tilespmem:s20], [sflag:$0x5], $0x4000, s9, s4, $0x38;
	[tilespmem:$0x10800] =	vst v63  }
0x220: {  	_ =	swait.ge [sflag:s8], $0x4000  }
0x221: {  	[sflag:s8] =	ssyncset.done $0x0  }
0x222: {  	s13 =	simm.s32 $0x580;
	[sflag:s8] =	ssyncadd.s32 $0xFFFFC000  }
0x223: {  	[tilespmem:s14], [sflag:$0x3] =	stream.indirect.gather [hbm4b:s2+s5], $0x80, s13, s5, $0xb8;
	[tilespmem:$0x10800] =	vst v63  }
0x224: {  	_ =	swait.ge [sflag:s19], $0x4000  }
0x225: {  	[sflag:s19] =	ssyncset.done $0x0  }
0x226: {  	s28 =	rddreg [dreg:$0x16];
	[sflag:s19] =	ssyncadd.s32 $0xFFFFC000  }
0x227: {  	[hbm4b:s28+s4] =	stream.strided.scatter [tilespmem:s17], [sflag:$0x6], $0x4000, s9, s4, $0x38;
	[tilespmem:$0x10800] =	vst v63  }
0x228: {  	_ =	swait.ge [sflag:s6], $0x4000  }
0x229: {  	[sflag:s6] =	ssyncset.done $0x0  }
0x22a: {  	[sflag:s6] =	ssyncadd.s32 $0xFFFFC000  }
0x22b: {  	[tilespmem:s24], [sflag:$0x4] =	stream.indirect.gather [hbm4b:s2+s5], $0x80, s29, s5, $0xb8;
	[tilespmem:$0x10800] =	vst v63  }
0x22c: {  	_ =	swait.ge [sflag:s16], $0x4000  }
0x22d: {  	[sflag:s16] =	ssyncset.done $0x0  }
0x22e: {  	s29 =	rddreg [dreg:$0x17];
	[sflag:s16] =	ssyncadd.s32 $0xFFFFC000  }
0x22f: {  	[hbm4b:s29+s4] =	stream.strided.scatter [tilespmem:s14], [sflag:$0x7], $0x4000, s9, s4, $0x38;
	[tilespmem:$0x10800] =	vst v63  }
0x230: {  	_ =	swait.ge [sflag:s15], $0x4000  }
0x231: {  	[sflag:s15] =	ssyncset.done $0x0  }
0x232: {  	s30 =	rddreg [dreg:$0x18];
	[sflag:s15] =	ssyncadd.s32 $0xFFFFC000  }
0x233: {  	[hbm4b:s30+s4] =	stream.strided.scatter [tilespmem:s24], [sflag:$0x8], $0x4000, s9, s4, $0x38;
	[tilespmem:$0x10800] =	vst v63  }
0x234: {  	_ =	swait.ge [sflag:s11], $0x4000  }
0x235: {  	[sflag:s11] =	ssyncset.done $0x0  }
0x236: {  	[sflag:s11] =	ssyncadd.s32 $0xFFFFC000  }
0x237: {  	_ =	swait.ge [sflag:s10], $0x4000  }
0x238: {  	[sflag:s10] =	ssyncset.done $0x0  }
0x239: {  	[sflag:s10] =	ssyncadd.s32 $0xFFFFC000  }
0x23a: {  	_ =	swait.ge [sflag:s8], $0x4000  }
0x23b: {  	[sflag:s8] =	ssyncset.done $0x0  }
0x23c: {  	[sflag:s8] =	ssyncadd.s32 $0xFFFFC000  }
0x23d: {  	_ =	swait.ge [sflag:s6], $0x4000  }
0x23e: {  	[sflag:s6] =	ssyncset.done $0x0  }
0x23f: {  	[sflag:s6] =	ssyncadd.s32 $0xFFFFC000  }
0x240: {  	_ =	sfence.sel $0x180000  }
0x241: {  	[bflag:$0x0] =	sbarrier.arrive $0xFFFF  }
0x242: {  	_ =	strace $0x90000047  }
0x243: {  	s31 =	stileid.u32;
	[bflag:$0x2] =	sbarrier.arrive $0xFFFF  }
0x244: {  	p0 =	sne.s32 s31, $0x0;
	s0 =	rddreg [dreg:$0x9]  }
0x245: {  	s0 =	sadd.s32 @!p0 $0x100000, s0  }
0x246: {  	[sflag:s0] =	ssyncadd.tile.s32 @!p0 $0x1;
	_ =	shalt  }
.LBB2_6:
.Ltmp3:
0x247: {  	(pc) =	sbr.rel .LBB2_5-.Ltmp3, $4  }
0x248: {  	s28 =	sld [smem:$0x7F3]  }
0x249: {  	s26 =	simm.s32 $0x380;
	s21 =	simm.s32 $0x180;
	s3 =	rddreg [dreg:$0x6]  }
0x24a: {  	s23 =	simm.s32 $0x700;
	s31 =	simm.s32 $0x500;
	s7 =	rddreg [dreg:$0x5]  }
0x24b: {  	s13 =	simm.s32 $0x680;
	s18 =	simm.s32 $0x280;
	s12 =	rddreg [dreg:$0x4]  }
.Lfunc_end2:
_tile_overlayer_lowered:
.L_overlay_start_2:
0x24c: {  	(tag) =	ssettag $0x2  }
0x24d: {  	s0 =	rddreg [dreg:$0x0];
	s2 =	stileid.u32  }
0x24e: {  	s1 =	rddreg [dreg:$0x1];
	p0 =	sne.s32 s2, $0x0  }
0x24f: {  	s3 =	rddreg [dreg:$0x2];
	[bflag:$0x3] =	sbarrier.arrive $0xFFFF;
	s2 =	simm.s32 @!p0 $0x1C09  }
0x250: {  	[timem:s3], [sflag:s2] =	dma.local @!p0 [hbm:s0], s1  }
0x251: {  	s0 =	simm.s32 @!p0 $0x9  }
0x252: {  	_ =	swait.ge @!p0 [sflag:s0], s1  }
0x253: {  	s1 =	ssub.s32 @!p0 $0x0, s1;
	[sflag:s0] =	ssyncset.done @!p0 $0x0  }
0x254: {  	[sflag:s0] =	ssyncadd.s32 @!p0 s1  }
0x255: {  	[bflag:$0x3] =	sbarrier.arrive $0xFFFF  }
0x256: {  	_ =	shalt  }

</sc_bundles>
